<compile_context>
chip_gen: v7x
topology: tpu7x:2x2x1
jax: 0.10.2.dev20260603
libtpu: 0.0.44.dev20260713+nightly
codegen_flags: <defaults>
</compile_context>

<pallas_src>
import functools
import math

import jax
import jax.numpy as jnp
from jax import lax
from jax.experimental import pallas as pl
from jax.experimental.pallas import tpu as pltpu
from jax.experimental.pallas import tpu_sc as plsc

_EMBEDDING_DIM = 32
_SCALE = math.sqrt(float(_EMBEDDING_DIM))

_NUM_CORES = 2
_NUM_SUBCORES = 16
_NUM_WORKERS = _NUM_CORES * _NUM_SUBCORES
_CHUNK = 128
_NBUF = 4
_LANES = 128
_PACK = _LANES // _EMBEDDING_DIM


def _sc_embedding_lookup(tokens_2d, table, n_rows):
    rows_per_worker = n_rows // _NUM_WORKERS
    chunks_per_worker = rows_per_worker // _CHUNK
    n_groups = chunks_per_worker // _NBUF
    out_rows = n_rows // _PACK
    out_rows_per_worker = rows_per_worker // _PACK
    out_rows_per_chunk = _CHUNK // _PACK
    dim = table.shape[1]

    mesh = plsc.VectorSubcoreMesh(core_axis_name="c", subcore_axis_name="s")

    @functools.partial(
        pl.kernel,
        mesh=mesh,
        out_type=jax.ShapeDtypeStruct((out_rows, _LANES), jnp.float32),
        scratch_types=[
            pltpu.VMEM((chunks_per_worker, _CHUNK), jnp.int32),
            pltpu.VMEM((_NBUF, _CHUNK, dim), jnp.float32),
            pltpu.VMEM((_NBUF, out_rows_per_chunk, _LANES), jnp.float32),
        ]
        + [pltpu.SemaphoreType.DMA] * (2 * _NBUF),
        compiler_params=pltpu.CompilerParams(use_tc_tiling_on_sc=False),
    )
    def k(tokens_hbm, table_hbm, out_hbm, idx_v, gbuf, sbuf, *sems):
        gsems = sems[:_NBUF]
        ssems = sems[_NBUF:]
        wid = lax.axis_index("s") * _NUM_CORES + lax.axis_index("c")
        base_out = wid * out_rows_per_worker

        pltpu.sync_copy(
            tokens_hbm.at[pl.ds(wid * chunks_per_worker, chunks_per_worker)],
            idx_v,
        )

        scale = jnp.float32(_SCALE)

        def issue_gather(j, b):
            pltpu.async_copy(table_hbm.at[idx_v.at[j]], gbuf.at[b], gsems[b])

        def wait_gather(b):
            pltpu.make_async_copy(
                table_hbm.at[idx_v.at[0]], gbuf.at[b], gsems[b]
            ).wait()

        def issue_store(j, b):
            pltpu.async_copy(
                sbuf.at[b],
                out_hbm.at[
                    pl.ds(base_out + j * out_rows_per_chunk, out_rows_per_chunk)
                ],
                ssems[b],
            )

        def wait_store(b):
            pltpu.make_async_copy(
                sbuf.at[b],
                out_hbm.at[pl.ds(base_out, out_rows_per_chunk)],
                ssems[b],
            ).wait()

        for b in range(_NBUF):
            issue_gather(b, b)

        def group_body(g, _):
            for b in range(_NBUF):
                j = g * _NBUF + b
                wait_gather(b)

                @pl.when(g > 0)
                def _():
                    wait_store(b)

                gb = gbuf.at[b]
                sb = sbuf.at[b]

                @plsc.parallel_loop(0, _CHUNK, 1, unroll=4)
                def _(t):
                    dst_r = t // _PACK
                    dst_c = (t % _PACK) * _EMBEDDING_DIM
                    for h in range(0, _EMBEDDING_DIM, 16):
                        sb[dst_r, pl.ds(dst_c + h, 16)] = (
                            gb[t, pl.ds(h, 16)] * scale
                        )

                issue_store(j, b)

                @pl.when(g < n_groups - 1)
                def _():
                    issue_gather(j + _NBUF, b)
            return 0

        lax.fori_loop(0, n_groups, group_body, 0)

        for b in range(_NBUF):
            wait_store(b)

    return k(tokens_2d, table)


def kernel(tokens, table):
    b, s = tokens.shape
    n_rows = b * s
    dim = table.shape[1]
    idx = tokens.reshape(n_rows // _CHUNK, _CHUNK).astype(jnp.int32)
    out128 = _sc_embedding_lookup(idx, table, n_rows)
    return out128.reshape(b, s, dim)

# --- scband reference (transcript-rebuilt; emitter-appended) ---
"""Pipeline reference for scband-scaled-embedding-62809601737039 (READ-ONLY COPY).

The authoritative reference and input builder live on the scoring server;
editing this copy changes nothing except your own understanding.
"""

import jax, jax.numpy as jnp
import numpy as np
import math

NUM_EMBEDDINGS = 1000000
EMBEDDING_DIM = 32
EMBED_SCALE = math.sqrt(EMBEDDING_DIM)

def setup_inputs(seed: int = 0) -> dict:
    key = jax.random.key(seed)
    k1, k2 = jax.random.split(key)
    tokens = jax.random.randint(k1, (16384, 50), 0, NUM_EMBEDDINGS, dtype=jnp.int64 if jax.config.jax_enable_x64 else jnp.int32)
    table = jax.random.uniform(k2, (NUM_EMBEDDINGS, EMBEDDING_DIM), dtype=jnp.float32, minval=-0.1, maxval=0.1)
    return {"tokens": tokens, "table": table}

def reference(tokens, table):
    # ScaledEmbedding.forward with scale=True:
    # embedding(tokens.long()) * sqrt(embedding_dim)
    emb = jnp.take(table, tokens, axis=0)
    return emb * EMBED_SCALE

if __name__ == "__main__":
    import jax
    _d = setup_inputs()
    print(jax.jit(kernel)(*tuple(_d.values())))

</pallas_src>

<mosaic_0001>
#map = affine_map<(d0, d1) -> (0, 0)>
module attributes {stable_mosaic.version = 14 : i64} {
  func.func @k(%arg0: i32, %arg1: i32, %arg2: memref<6400x128xi32, #tpu.memory_space<hbm>>, %arg3: memref<1000000x32xf32, #tpu.memory_space<hbm>>, %arg4: memref<204800x128xf32, #tpu.memory_space<hbm>>, %arg5: memref<200x128xi32, #tpu.memory_space<vmem>>, %arg6: memref<4x128x32xf32, #tpu.memory_space<vmem>>, %arg7: memref<4x32x128xf32, #tpu.memory_space<vmem>>, %arg8: memref<!tpu.dma_semaphore, #tpu.memory_space<semaphore_mem>>, %arg9: memref<!tpu.dma_semaphore, #tpu.memory_space<semaphore_mem>>, %arg10: memref<!tpu.dma_semaphore, #tpu.memory_space<semaphore_mem>>, %arg11: memref<!tpu.dma_semaphore, #tpu.memory_space<semaphore_mem>>, %arg12: memref<!tpu.dma_semaphore, #tpu.memory_space<semaphore_mem>>, %arg13: memref<!tpu.dma_semaphore, #tpu.memory_space<semaphore_mem>>, %arg14: memref<!tpu.dma_semaphore, #tpu.memory_space<semaphore_mem>>, %arg15: memref<!tpu.dma_semaphore, #tpu.memory_space<semaphore_mem>>) attributes {dimension_semantics = [#tpu.dimension_semantics<core_parallel>, #tpu.dimension_semantics<subcore_parallel>], iteration_bounds = array<i64: 2, 16>, scalar_prefetch = 0 : i64, scratch_operands = 11 : i64, tpu.core_type = #tpu.core_type<sc_vector_subcore>, window_params = [{transform_indices = #map}, {transform_indices = #map}, {transform_indices = #map}]} {
    %mul3A = arith.constant 2 : i32
    %mul3A_0 = arith.muli %arg1, %mul3A : i32
    %add3A = arith.addi %mul3A_0, %arg0 : i32
    %mul3A_1 = arith.constant 6400 : i32
    %mul3A_2 = arith.muli %add3A, %mul3A_1 : i32
    %mul3A_3 = arith.constant 200 : i32
    %mul3A_4 = arith.muli %add3A, %mul3A_3 : i32
    "tpu.region"() ({
      %run_scoped3A = tpu.sem_alloc : memref<!tpu.dma_semaphore, #tpu.memory_space<semaphore_mem>>
      %dma_start3A_110 = arith.constant 0 : i32
      %dma_start3A_111 = tpu.memref_slice %arg2[%mul3A_4, %dma_start3A_110] : memref<6400x128xi32, #tpu.memory_space<hbm>> -> memref<200x128xi32, #tpu.memory_space<hbm>>
      %dma_start3A_112 = arith.constant 0 : i32
      %dma_start3A_113 = tpu.memref_slice %arg2[%mul3A_4, %dma_start3A_112] : memref<6400x128xi32, #tpu.memory_space<hbm>> -> memref<200x128xi32, #tpu.memory_space<hbm>>
      tpu.enqueue_dma source(%dma_start3A_113 : memref<200x128xi32, #tpu.memory_space<hbm>>) target(%arg5 : memref<200x128xi32, #tpu.memory_space<vmem>>) target_semaphore(%run_scoped3A : memref<!tpu.dma_semaphore, #tpu.memory_space<semaphore_mem>>)
      %dma_wait3A_114 = arith.constant 0 : i32
      %dma_wait3A_115 = tpu.memref_slice %arg2[%mul3A_4, %dma_wait3A_114] : memref<6400x128xi32, #tpu.memory_space<hbm>> -> memref<200x128xi32, #tpu.memory_space<hbm>>
      %dma_wait3A_116 = arith.constant 0 : i32
      %dma_wait3A_117 = tpu.memref_slice %arg2[%mul3A_4, %dma_wait3A_116] : memref<6400x128xi32, #tpu.memory_space<hbm>> -> memref<200x128xi32, #tpu.memory_space<hbm>>
      tpu.wait_dma2 semaphore(%run_scoped3A : memref<!tpu.dma_semaphore, #tpu.memory_space<semaphore_mem>>) src(%dma_wait3A_117 : memref<200x128xi32, #tpu.memory_space<hbm>>) dst(%arg5 : memref<200x128xi32, #tpu.memory_space<vmem>>)
      tpu.yield
    }) : () -> ()
    %dma_start3A = arith.constant 0 : i32
    %dma_start3A_5 = arith.constant 0 : i32
    %dma_start3A_6 = arith.constant 0 : i32
    %dma_start3A_7 = arith.constant 0 : i32
    %dma_start3A_8 = tpu.memref_slice %arg6[%dma_start3A_5, %dma_start3A_6, %dma_start3A_7] : memref<4x128x32xf32, #tpu.memory_space<vmem>> -> memref<1x128x32xf32, #tpu.memory_space<vmem>>
    %dma_start3A_9 = tpu.memref_squeeze %dma_start3A_8 : memref<1x128x32xf32, #tpu.memory_space<vmem>> -> memref<128x32xf32, #tpu.memory_space<vmem>>
    %dma_start3A_10 = arith.constant 0 : i32
    %dma_start3A_11 = tpu.memref_slice %arg5[%dma_start3A, %dma_start3A_10] : memref<200x128xi32, #tpu.memory_space<vmem>> -> memref<1x128xi32, #tpu.memory_space<vmem>>
    %dma_start3A_12 = tpu.memref_squeeze %dma_start3A_11 : memref<1x128xi32, #tpu.memory_space<vmem>> -> memref<128xi32, #tpu.memory_space<vmem>>
    %dma_start3A_13 = arith.constant 0 : i32
    %dma_start3A_14 = arith.constant 0 : i32
    %dma_start3A_15 = tpu.memref_slice %arg3[%dma_start3A_13, %dma_start3A_14] : memref<1000000x32xf32, #tpu.memory_space<hbm>> -> memref<1000000x32xf32, #tpu.memory_space<hbm>>
    tpu.enqueue_indirect_dma source(%dma_start3A_15 : memref<1000000x32xf32, #tpu.memory_space<hbm>>) target(%dma_start3A_9 : memref<128x32xf32, #tpu.memory_space<vmem>>) offsets(%dma_start3A_12 : memref<128xi32, #tpu.memory_space<vmem>>) semaphore(%arg8 : memref<!tpu.dma_semaphore, #tpu.memory_space<semaphore_mem>>)
    %dma_start3A_16 = arith.constant 1 : i32
    %dma_start3A_17 = arith.constant 1 : i32
    %dma_start3A_18 = arith.constant 0 : i32
    %dma_start3A_19 = arith.constant 0 : i32
    %dma_start3A_20 = tpu.memref_slice %arg6[%dma_start3A_17, %dma_start3A_18, %dma_start3A_19] : memref<4x128x32xf32, #tpu.memory_space<vmem>> -> memref<1x128x32xf32, #tpu.memory_space<vmem>>
    %dma_start3A_21 = tpu.memref_squeeze %dma_start3A_20 : memref<1x128x32xf32, #tpu.memory_space<vmem>> -> memref<128x32xf32, #tpu.memory_space<vmem>>
    %dma_start3A_22 = arith.constant 0 : i32
    %dma_start3A_23 = tpu.memref_slice %arg5[%dma_start3A_16, %dma_start3A_22] : memref<200x128xi32, #tpu.memory_space<vmem>> -> memref<1x128xi32, #tpu.memory_space<vmem>>
    %dma_start3A_24 = tpu.memref_squeeze %dma_start3A_23 : memref<1x128xi32, #tpu.memory_space<vmem>> -> memref<128xi32, #tpu.memory_space<vmem>>
    %dma_start3A_25 = arith.constant 0 : i32
    %dma_start3A_26 = arith.constant 0 : i32
    %dma_start3A_27 = tpu.memref_slice %arg3[%dma_start3A_25, %dma_start3A_26] : memref<1000000x32xf32, #tpu.memory_space<hbm>> -> memref<1000000x32xf32, #tpu.memory_space<hbm>>
    tpu.enqueue_indirect_dma source(%dma_start3A_27 : memref<1000000x32xf32, #tpu.memory_space<hbm>>) target(%dma_start3A_21 : memref<128x32xf32, #tpu.memory_space<vmem>>) offsets(%dma_start3A_24 : memref<128xi32, #tpu.memory_space<vmem>>) semaphore(%arg9 : memref<!tpu.dma_semaphore, #tpu.memory_space<semaphore_mem>>)
    %dma_start3A_28 = arith.constant 2 : i32
    %dma_start3A_29 = arith.constant 2 : i32
    %dma_start3A_30 = arith.constant 0 : i32
    %dma_start3A_31 = arith.constant 0 : i32
    %dma_start3A_32 = tpu.memref_slice %arg6[%dma_start3A_29, %dma_start3A_30, %dma_start3A_31] : memref<4x128x32xf32, #tpu.memory_space<vmem>> -> memref<1x128x32xf32, #tpu.memory_space<vmem>>
    %dma_start3A_33 = tpu.memref_squeeze %dma_start3A_32 : memref<1x128x32xf32, #tpu.memory_space<vmem>> -> memref<128x32xf32, #tpu.memory_space<vmem>>
    %dma_start3A_34 = arith.constant 0 : i32
    %dma_start3A_35 = tpu.memref_slice %arg5[%dma_start3A_28, %dma_start3A_34] : memref<200x128xi32, #tpu.memory_space<vmem>> -> memref<1x128xi32, #tpu.memory_space<vmem>>
    %dma_start3A_36 = tpu.memref_squeeze %dma_start3A_35 : memref<1x128xi32, #tpu.memory_space<vmem>> -> memref<128xi32, #tpu.memory_space<vmem>>
    %dma_start3A_37 = arith.constant 0 : i32
    %dma_start3A_38 = arith.constant 0 : i32
    %dma_start3A_39 = tpu.memref_slice %arg3[%dma_start3A_37, %dma_start3A_38] : memref<1000000x32xf32, #tpu.memory_space<hbm>> -> memref<1000000x32xf32, #tpu.memory_space<hbm>>
    tpu.enqueue_indirect_dma source(%dma_start3A_39 : memref<1000000x32xf32, #tpu.memory_space<hbm>>) target(%dma_start3A_33 : memref<128x32xf32, #tpu.memory_space<vmem>>) offsets(%dma_start3A_36 : memref<128xi32, #tpu.memory_space<vmem>>) semaphore(%arg10 : memref<!tpu.dma_semaphore, #tpu.memory_space<semaphore_mem>>)
    %dma_start3A_40 = arith.constant 3 : i32
    %dma_start3A_41 = arith.constant 3 : i32
    %dma_start3A_42 = arith.constant 0 : i32
    %dma_start3A_43 = arith.constant 0 : i32
    %dma_start3A_44 = tpu.memref_slice %arg6[%dma_start3A_41, %dma_start3A_42, %dma_start3A_43] : memref<4x128x32xf32, #tpu.memory_space<vmem>> -> memref<1x128x32xf32, #tpu.memory_space<vmem>>
    %dma_start3A_45 = tpu.memref_squeeze %dma_start3A_44 : memref<1x128x32xf32, #tpu.memory_space<vmem>> -> memref<128x32xf32, #tpu.memory_space<vmem>>
    %dma_start3A_46 = arith.constant 0 : i32
    %dma_start3A_47 = tpu.memref_slice %arg5[%dma_start3A_40, %dma_start3A_46] : memref<200x128xi32, #tpu.memory_space<vmem>> -> memref<1x128xi32, #tpu.memory_space<vmem>>
    %dma_start3A_48 = tpu.memref_squeeze %dma_start3A_47 : memref<1x128xi32, #tpu.memory_space<vmem>> -> memref<128xi32, #tpu.memory_space<vmem>>
    %dma_start3A_49 = arith.constant 0 : i32
    %dma_start3A_50 = arith.constant 0 : i32
    %dma_start3A_51 = tpu.memref_slice %arg3[%dma_start3A_49, %dma_start3A_50] : memref<1000000x32xf32, #tpu.memory_space<hbm>> -> memref<1000000x32xf32, #tpu.memory_space<hbm>>
    tpu.enqueue_indirect_dma source(%dma_start3A_51 : memref<1000000x32xf32, #tpu.memory_space<hbm>>) target(%dma_start3A_45 : memref<128x32xf32, #tpu.memory_space<vmem>>) offsets(%dma_start3A_48 : memref<128xi32, #tpu.memory_space<vmem>>) semaphore(%arg11 : memref<!tpu.dma_semaphore, #tpu.memory_space<semaphore_mem>>)
    %scan3A = arith.constant 5.65685415 : f32
    %scan3A_52 = arith.constant 0 : i32
    %scan3A_53 = arith.constant 0 : i32
    %scan3A_54 = arith.constant 50 : i32
    %scan3A_55 = arith.addi %scan3A_53, %scan3A_54 : i32
    %scan3A_56 = arith.constant 1 : i32
    %scan3A_57 = scf.for %scan3A_110 = %scan3A_53 to %scan3A_55 step %scan3A_56 iter_args(%scan3A_111 = %scan3A_52) -> (i32)  : i32 {
      %mul3A_112 = arith.constant 4 : i32
      %mul3A_113 = arith.muli %scan3A_110, %mul3A_112 : i32
      %add3A_114 = arith.constant 0 : i32
      %add3A_115 = arith.addi %mul3A_113, %add3A_114 : i32
      %dma_wait3A_116 = arith.constant 0 : i32
      %dma_wait3A_117 = arith.constant 0 : i32
      %dma_wait3A_118 = arith.constant 0 : i32
      %dma_wait3A_119 = arith.constant 0 : i32
      %dma_wait3A_120 = tpu.memref_slice %arg6[%dma_wait3A_117, %dma_wait3A_118, %dma_wait3A_119] : memref<4x128x32xf32, #tpu.memory_space<vmem>> -> memref<1x128x32xf32, #tpu.memory_space<vmem>>
      %dma_wait3A_121 = tpu.memref_squeeze %dma_wait3A_120 : memref<1x128x32xf32, #tpu.memory_space<vmem>> -> memref<128x32xf32, #tpu.memory_space<vmem>>
      %dma_wait3A_122 = arith.constant 0 : i32
      %dma_wait3A_123 = tpu.memref_slice %arg5[%dma_wait3A_116, %dma_wait3A_122] : memref<200x128xi32, #tpu.memory_space<vmem>> -> memref<1x128xi32, #tpu.memory_space<vmem>>
      %dma_wait3A_124 = tpu.memref_squeeze %dma_wait3A_123 : memref<1x128xi32, #tpu.memory_space<vmem>> -> memref<128xi32, #tpu.memory_space<vmem>>
      %dma_wait3A_125 = arith.constant 0 : i32
      %dma_wait3A_126 = arith.constant 0 : i32
      %dma_wait3A_127 = tpu.memref_slice %arg3[%dma_wait3A_125, %dma_wait3A_126] : memref<1000000x32xf32, #tpu.memory_space<hbm>> -> memref<1000000x32xf32, #tpu.memory_space<hbm>>
      tpu.wait_indirect_dma semaphore(%arg8 : memref<!tpu.dma_semaphore, #tpu.memory_space<semaphore_mem>>) src(%dma_wait3A_127 : memref<1000000x32xf32, #tpu.memory_space<hbm>>) dst(%dma_wait3A_121 : memref<128x32xf32, #tpu.memory_space<vmem>>)
      %gt3A = arith.constant 0 : i32
      %gt3A_128 = arith.cmpi sgt, %scan3A_110, %gt3A : i32
      %convert_element_type3A = arith.extui %gt3A_128 : i1 to i32
      %cond3A = arith.constant 0 : i32
      %cond3A_129 = arith.cmpi ne, %convert_element_type3A, %cond3A : i32
      scf.if %cond3A_129 {
        %dma_wait3A_296 = arith.constant 0 : i32
        %dma_wait3A_297 = arith.constant 0 : i32
        %dma_wait3A_298 = arith.constant 0 : i32
        %dma_wait3A_299 = tpu.memref_slice %arg7[%dma_wait3A_296, %dma_wait3A_297, %dma_wait3A_298] : memref<4x32x128xf32, #tpu.memory_space<vmem>> -> memref<1x32x128xf32, #tpu.memory_space<vmem>>
        %dma_wait3A_300 = tpu.memref_squeeze %dma_wait3A_299 : memref<1x32x128xf32, #tpu.memory_space<vmem>> -> memref<32x128xf32, #tpu.memory_space<vmem>>
        %dma_wait3A_301 = arith.constant 0 : i32
        %dma_wait3A_302 = tpu.memref_slice %arg4[%mul3A_2, %dma_wait3A_301] : memref<204800x128xf32, #tpu.memory_space<hbm>> -> memref<32x128xf32, #tpu.memory_space<hbm>>
        %dma_wait3A_303 = arith.constant 0 : i32
        %dma_wait3A_304 = tpu.memref_slice %arg4[%mul3A_2, %dma_wait3A_303] : memref<204800x128xf32, #tpu.memory_space<hbm>> -> memref<32x128xf32, #tpu.memory_space<hbm>>
        %dma_wait3A_305 = arith.constant 0 : i32
        %dma_wait3A_306 = arith.constant 0 : i32
        %dma_wait3A_307 = tpu.memref_slice %arg7[%dma_wait3A_296, %dma_wait3A_305, %dma_wait3A_306] : memref<4x32x128xf32, #tpu.memory_space<vmem>> -> memref<1x32x128xf32, #tpu.memory_space<vmem>>
        %dma_wait3A_308 = tpu.memref_squeeze %dma_wait3A_307 : memref<1x32x128xf32, #tpu.memory_space<vmem>> -> memref<32x128xf32, #tpu.memory_space<vmem>>
        tpu.wait_dma2 semaphore(%arg12 : memref<!tpu.dma_semaphore, #tpu.memory_space<semaphore_mem>>) src(%dma_wait3A_308 : memref<32x128xf32, #tpu.memory_space<vmem>>) dst(%dma_wait3A_304 : memref<32x128xf32, #tpu.memory_space<hbm>>)
      } else {
      }
      %parallel_loop3A = arith.constant 0 : i32
      %parallel_loop3A_130 = arith.constant 128 : i32
      %parallel_loop3A_131 = arith.constant 1 : i32
      %parallel_loop3A_132 = arith.constant 0 : i32
      %parallel_loop3A_133 = arith.constant 0 : i32
      scf.for %parallel_loop3A_296 = %parallel_loop3A to %parallel_loop3A_130 step %parallel_loop3A_131  : i32 {
        %parallel_loop3A_297 = arith.constant 4 : i32
        %parallel_loop3A_298 = arith.divsi %parallel_loop3A_296, %parallel_loop3A_297 : i32
        %parallel_loop3A_299 = arith.constant 0 : i32
        %parallel_loop3A_300 = arith.cmpi sgt, %parallel_loop3A_296, %parallel_loop3A_299 : i32
        %parallel_loop3A_301 = arith.extui %parallel_loop3A_300 : i1 to i32
        %parallel_loop3A_302 = arith.constant 0 : i32
        %parallel_loop3A_303 = arith.cmpi slt, %parallel_loop3A_296, %parallel_loop3A_302 : i32
        %parallel_loop3A_304 = arith.extui %parallel_loop3A_303 : i1 to i32
        %parallel_loop3A_305 = arith.subi %parallel_loop3A_301, %parallel_loop3A_304 : i32
        %parallel_loop3A_306 = arith.constant 0 : i32
        %parallel_loop3A_307 = arith.cmpi sgt, %parallel_loop3A_297, %parallel_loop3A_306 : i32
        %parallel_loop3A_308 = arith.extui %parallel_loop3A_307 : i1 to i32
        %parallel_loop3A_309 = arith.constant 0 : i32
        %parallel_loop3A_310 = arith.cmpi slt, %parallel_loop3A_297, %parallel_loop3A_309 : i32
        %parallel_loop3A_311 = arith.extui %parallel_loop3A_310 : i1 to i32
        %parallel_loop3A_312 = arith.subi %parallel_loop3A_308, %parallel_loop3A_311 : i32
        %parallel_loop3A_313 = arith.cmpi ne, %parallel_loop3A_305, %parallel_loop3A_312 : i32
        %parallel_loop3A_314 = arith.remsi %parallel_loop3A_296, %parallel_loop3A_297 : i32
        %parallel_loop3A_315 = arith.constant 0 : i32
        %parallel_loop3A_316 = arith.cmpi ne, %parallel_loop3A_314, %parallel_loop3A_315 : i32
        %parallel_loop3A_317 = arith.andi %parallel_loop3A_313, %parallel_loop3A_316 : i1
        %parallel_loop3A_318 = arith.constant 1 : i32
        %parallel_loop3A_319 = arith.subi %parallel_loop3A_298, %parallel_loop3A_318 : i32
        %parallel_loop3A_320 = arith.select %parallel_loop3A_317, %parallel_loop3A_319, %parallel_loop3A_298 : i32
        %parallel_loop3A_321 = arith.constant 4 : i32
        %parallel_loop3A_322 = arith.constant 0 : i32
        %parallel_loop3A_323 = arith.cmpi eq, %parallel_loop3A_321, %parallel_loop3A_322 : i32
        %parallel_loop3A_324 = arith.constant 1 : i32
        %parallel_loop3A_325 = arith.select %parallel_loop3A_323, %parallel_loop3A_324, %parallel_loop3A_321 : i32
        %parallel_loop3A_326 = arith.remsi %parallel_loop3A_296, %parallel_loop3A_325 : i32
        %parallel_loop3A_327 = arith.constant 0 : i32
        %parallel_loop3A_328 = arith.cmpi ne, %parallel_loop3A_326, %parallel_loop3A_327 : i32
        %parallel_loop3A_329 = arith.constant 0 : i32
        %parallel_loop3A_330 = arith.cmpi slt, %parallel_loop3A_326, %parallel_loop3A_329 : i32
        %parallel_loop3A_331 = arith.constant 0 : i32
        %parallel_loop3A_332 = arith.cmpi slt, %parallel_loop3A_325, %parallel_loop3A_331 : i32
        %parallel_loop3A_333 = arith.xori %parallel_loop3A_330, %parallel_loop3A_332 : i1
        %parallel_loop3A_334 = arith.andi %parallel_loop3A_333, %parallel_loop3A_328 : i1
        %parallel_loop3A_335 = arith.addi %parallel_loop3A_326, %parallel_loop3A_325 : i32
        %parallel_loop3A_336 = arith.select %parallel_loop3A_334, %parallel_loop3A_335, %parallel_loop3A_326 : i32
        %parallel_loop3A_337 = arith.constant 32 : i32
        %parallel_loop3A_338 = arith.muli %parallel_loop3A_336, %parallel_loop3A_337 : i32
        %parallel_loop3A_339 = arith.constant 0 : i32
        %parallel_loop3A_340 = arith.constant 0 : i32
        %parallel_loop3A_341 = tpu.memref_slice %arg6[%parallel_loop3A_132, %parallel_loop3A_339, %parallel_loop3A_340] : memref<4x128x32xf32, #tpu.memory_space<vmem>> -> memref<1x128x32xf32, #tpu.memory_space<vmem>>
        %parallel_loop3A_342 = tpu.memref_squeeze %parallel_loop3A_341 : memref<1x128x32xf32, #tpu.memory_space<vmem>> -> memref<128x32xf32, #tpu.memory_space<vmem>>
        %parallel_loop3A_343 = arith.index_cast %parallel_loop3A_296 : i32 to index
        %parallel_loop3A_344 = arith.constant 0 : index
        %parallel_loop3A_345 = tpu.vector_load %parallel_loop3A_342[%parallel_loop3A_343, %parallel_loop3A_344] {strides = array<i32>} : memref<128x32xf32, #tpu.memory_space<vmem>>, vector<1x16xf32>,
        %parallel_loop3A_346 = vector.shape_cast %parallel_loop3A_345 : vector<1x16xf32> to vector<16xf32>
        %parallel_loop3A_347 = vector.broadcast %scan3A : f32 to vector<16xf32>
        %parallel_loop3A_348 = arith.mulf %parallel_loop3A_346, %parallel_loop3A_347 : vector<16xf32>
        %parallel_loop3A_349 = arith.constant 0 : i32
        %parallel_loop3A_350 = arith.addi %parallel_loop3A_338, %parallel_loop3A_349 : i32
        %parallel_loop3A_351 = arith.constant 0 : i32
        %parallel_loop3A_352 = arith.constant 0 : i32
        %parallel_loop3A_353 = tpu.memref_slice %arg7[%parallel_loop3A_133, %parallel_loop3A_351, %parallel_loop3A_352] : memref<4x32x128xf32, #tpu.memory_space<vmem>> -> memref<1x32x128xf32, #tpu.memory_space<vmem>>
        %parallel_loop3A_354 = tpu.memref_squeeze %parallel_loop3A_353 : memref<1x32x128xf32, #tpu.memory_space<vmem>> -> memref<32x128xf32, #tpu.memory_space<vmem>>
        %parallel_loop3A_355 = arith.index_cast %parallel_loop3A_320 : i32 to index
        %parallel_loop3A_356 = arith.index_cast %parallel_loop3A_350 : i32 to index
        %parallel_loop3A_357 = tpu.vector_load %parallel_loop3A_354[%parallel_loop3A_355, %parallel_loop3A_356] {strides = array<i32>} : memref<32x128xf32, #tpu.memory_space<vmem>>, vector<1x16xf32>,
        %parallel_loop3A_358 = vector.shape_cast %parallel_loop3A_357 : vector<1x16xf32> to vector<16xf32>
        %parallel_loop3A_359 = vector.shape_cast %parallel_loop3A_348 : vector<16xf32> to vector<1x16xf32>
        tpu.vector_store %parallel_loop3A_354[%parallel_loop3A_355, %parallel_loop3A_356], %parallel_loop3A_359 {strides = array<i32>} : memref<32x128xf32, #tpu.memory_space<vmem>>, vector<1x16xf32>,
        %parallel_loop3A_360 = arith.constant 0 : i32
        %parallel_loop3A_361 = arith.constant 0 : i32
        %parallel_loop3A_362 = tpu.memref_slice %arg6[%parallel_loop3A_132, %parallel_loop3A_360, %parallel_loop3A_361] : memref<4x128x32xf32, #tpu.memory_space<vmem>> -> memref<1x128x32xf32, #tpu.memory_space<vmem>>
        %parallel_loop3A_363 = tpu.memref_squeeze %parallel_loop3A_362 : memref<1x128x32xf32, #tpu.memory_space<vmem>> -> memref<128x32xf32, #tpu.memory_space<vmem>>
        %parallel_loop3A_364 = arith.index_cast %parallel_loop3A_296 : i32 to index
        %parallel_loop3A_365 = arith.constant 16 : index
        %parallel_loop3A_366 = tpu.vector_load %parallel_loop3A_363[%parallel_loop3A_364, %parallel_loop3A_365] {strides = array<i32>} : memref<128x32xf32, #tpu.memory_space<vmem>>, vector<1x16xf32>,
        %parallel_loop3A_367 = vector.shape_cast %parallel_loop3A_366 : vector<1x16xf32> to vector<16xf32>
        %parallel_loop3A_368 = vector.broadcast %scan3A : f32 to vector<16xf32>
        %parallel_loop3A_369 = arith.mulf %parallel_loop3A_367, %parallel_loop3A_368 : vector<16xf32>
        %parallel_loop3A_370 = arith.constant 16 : i32
        %parallel_loop3A_371 = arith.addi %parallel_loop3A_338, %parallel_loop3A_370 : i32
        %parallel_loop3A_372 = arith.constant 0 : i32
        %parallel_loop3A_373 = arith.constant 0 : i32
        %parallel_loop3A_374 = tpu.memref_slice %arg7[%parallel_loop3A_133, %parallel_loop3A_372, %parallel_loop3A_373] : memref<4x32x128xf32, #tpu.memory_space<vmem>> -> memref<1x32x128xf32, #tpu.memory_space<vmem>>
        %parallel_loop3A_375 = tpu.memref_squeeze %parallel_loop3A_374 : memref<1x32x128xf32, #tpu.memory_space<vmem>> -> memref<32x128xf32, #tpu.memory_space<vmem>>
        %parallel_loop3A_376 = arith.index_cast %parallel_loop3A_320 : i32 to index
        %parallel_loop3A_377 = arith.index_cast %parallel_loop3A_371 : i32 to index
        %parallel_loop3A_378 = tpu.vector_load %parallel_loop3A_375[%parallel_loop3A_376, %parallel_loop3A_377] {strides = array<i32>} : memref<32x128xf32, #tpu.memory_space<vmem>>, vector<1x16xf32>,
        %parallel_loop3A_379 = vector.shape_cast %parallel_loop3A_378 : vector<1x16xf32> to vector<16xf32>
        %parallel_loop3A_380 = vector.shape_cast %parallel_loop3A_369 : vector<16xf32> to vector<1x16xf32>
        tpu.vector_store %parallel_loop3A_375[%parallel_loop3A_376, %parallel_loop3A_377], %parallel_loop3A_380 {strides = array<i32>} : memref<32x128xf32, #tpu.memory_space<vmem>>, vector<1x16xf32>,
      } {sc.loop_unroll_factor = 4 : i64, sc.parallel_access}
      %mul3A_134 = arith.constant 32 : i32
      %mul3A_135 = arith.muli %add3A_115, %mul3A_134 : i32
      %add3A_136 = arith.addi %mul3A_2, %mul3A_135 : i32
      %dma_start3A_137 = arith.constant 0 : i32
      %dma_start3A_138 = arith.constant 0 : i32
      %dma_start3A_139 = arith.constant 0 : i32
      %dma_start3A_140 = tpu.memref_slice %arg7[%dma_start3A_137, %dma_start3A_138, %dma_start3A_139] : memref<4x32x128xf32, #tpu.memory_space<vmem>> -> memref<1x32x128xf32, #tpu.memory_space<vmem>>
      %dma_start3A_141 = tpu.memref_squeeze %dma_start3A_140 : memref<1x32x128xf32, #tpu.memory_space<vmem>> -> memref<32x128xf32, #tpu.memory_space<vmem>>
      %dma_start3A_142 = arith.constant 0 : i32
      %dma_start3A_143 = tpu.memref_slice %arg4[%add3A_136, %dma_start3A_142] : memref<204800x128xf32, #tpu.memory_space<hbm>> -> memref<32x128xf32, #tpu.memory_space<hbm>>
      %dma_start3A_144 = arith.constant 0 : i32
      %dma_start3A_145 = tpu.memref_slice %arg4[%add3A_136, %dma_start3A_144] : memref<204800x128xf32, #tpu.memory_space<hbm>> -> memref<32x128xf32, #tpu.memory_space<hbm>>
      %dma_start3A_146 = arith.constant 0 : i32
      %dma_start3A_147 = arith.constant 0 : i32
      %dma_start3A_148 = tpu.memref_slice %arg7[%dma_start3A_137, %dma_start3A_146, %dma_start3A_147] : memref<4x32x128xf32, #tpu.memory_space<vmem>> -> memref<1x32x128xf32, #tpu.memory_space<vmem>>
      %dma_start3A_149 = tpu.memref_squeeze %dma_start3A_148 : memref<1x32x128xf32, #tpu.memory_space<vmem>> -> memref<32x128xf32, #tpu.memory_space<vmem>>
      tpu.enqueue_dma source(%dma_start3A_149 : memref<32x128xf32, #tpu.memory_space<vmem>>) target(%dma_start3A_145 : memref<32x128xf32, #tpu.memory_space<hbm>>) target_semaphore(%arg12 : memref<!tpu.dma_semaphore, #tpu.memory_space<semaphore_mem>>)
      %lt3A = arith.constant 49 : i32
      %lt3A_150 = arith.cmpi slt, %scan3A_110, %lt3A : i32
      %convert_element_type3A_151 = arith.extui %lt3A_150 : i1 to i32
      %cond3A_152 = arith.constant 0 : i32
      %cond3A_153 = arith.cmpi ne, %convert_element_type3A_151, %cond3A_152 : i32
      scf.if %cond3A_153 {
        %add3A_296 = arith.constant 4 : i32
        %add3A_297 = arith.addi %add3A_115, %add3A_296 : i32
        %dma_start3A_298 = arith.constant 0 : i32
        %dma_start3A_299 = arith.constant 0 : i32
        %dma_start3A_300 = arith.constant 0 : i32
        %dma_start3A_301 = tpu.memref_slice %arg6[%dma_start3A_298, %dma_start3A_299, %dma_start3A_300] : memref<4x128x32xf32, #tpu.memory_space<vmem>> -> memref<1x128x32xf32, #tpu.memory_space<vmem>>
        %dma_start3A_302 = tpu.memref_squeeze %dma_start3A_301 : memref<1x128x32xf32, #tpu.memory_space<vmem>> -> memref<128x32xf32, #tpu.memory_space<vmem>>
        %dma_start3A_303 = arith.constant 0 : i32
        %dma_start3A_304 = tpu.memref_slice %arg5[%add3A_297, %dma_start3A_303] : memref<200x128xi32, #tpu.memory_space<vmem>> -> memref<1x128xi32, #tpu.memory_space<vmem>>
        %dma_start3A_305 = tpu.memref_squeeze %dma_start3A_304 : memref<1x128xi32, #tpu.memory_space<vmem>> -> memref<128xi32, #tpu.memory_space<vmem>>
        %dma_start3A_306 = arith.constant 0 : i32
        %dma_start3A_307 = arith.constant 0 : i32
        %dma_start3A_308 = tpu.memref_slice %arg3[%dma_start3A_306, %dma_start3A_307] : memref<1000000x32xf32, #tpu.memory_space<hbm>> -> memref<1000000x32xf32, #tpu.memory_space<hbm>>
        tpu.enqueue_indirect_dma source(%dma_start3A_308 : memref<1000000x32xf32, #tpu.memory_space<hbm>>) target(%dma_start3A_302 : memref<128x32xf32, #tpu.memory_space<vmem>>) offsets(%dma_start3A_305 : memref<128xi32, #tpu.memory_space<vmem>>) semaphore(%arg8 : memref<!tpu.dma_semaphore, #tpu.memory_space<semaphore_mem>>)
      } else {
      }
      %mul3A_154 = arith.constant 4 : i32
      %mul3A_155 = arith.muli %scan3A_110, %mul3A_154 : i32
      %add3A_156 = arith.constant 1 : i32
      %add3A_157 = arith.addi %mul3A_155, %add3A_156 : i32
      %dma_wait3A_158 = arith.constant 0 : i32
      %dma_wait3A_159 = arith.constant 1 : i32
      %dma_wait3A_160 = arith.constant 0 : i32
      %dma_wait3A_161 = arith.constant 0 : i32
      %dma_wait3A_162 = tpu.memref_slice %arg6[%dma_wait3A_159, %dma_wait3A_160, %dma_wait3A_161] : memref<4x128x32xf32, #tpu.memory_space<vmem>> -> memref<1x128x32xf32, #tpu.memory_space<vmem>>
      %dma_wait3A_163 = tpu.memref_squeeze %dma_wait3A_162 : memref<1x128x32xf32, #tpu.memory_space<vmem>> -> memref<128x32xf32, #tpu.memory_space<vmem>>
      %dma_wait3A_164 = arith.constant 0 : i32
      %dma_wait3A_165 = tpu.memref_slice %arg5[%dma_wait3A_158, %dma_wait3A_164] : memref<200x128xi32, #tpu.memory_space<vmem>> -> memref<1x128xi32, #tpu.memory_space<vmem>>
      %dma_wait3A_166 = tpu.memref_squeeze %dma_wait3A_165 : memref<1x128xi32, #tpu.memory_space<vmem>> -> memref<128xi32, #tpu.memory_space<vmem>>
      %dma_wait3A_167 = arith.constant 0 : i32
      %dma_wait3A_168 = arith.constant 0 : i32
      %dma_wait3A_169 = tpu.memref_slice %arg3[%dma_wait3A_167, %dma_wait3A_168] : memref<1000000x32xf32, #tpu.memory_space<hbm>> -> memref<1000000x32xf32, #tpu.memory_space<hbm>>
      tpu.wait_indirect_dma semaphore(%arg9 : memref<!tpu.dma_semaphore, #tpu.memory_space<semaphore_mem>>) src(%dma_wait3A_169 : memref<1000000x32xf32, #tpu.memory_space<hbm>>) dst(%dma_wait3A_163 : memref<128x32xf32, #tpu.memory_space<vmem>>)
      %gt3A_170 = arith.constant 0 : i32
      %gt3A_171 = arith.cmpi sgt, %scan3A_110, %gt3A_170 : i32
      %convert_element_type3A_172 = arith.extui %gt3A_171 : i1 to i32
      %cond3A_173 = arith.constant 0 : i32
      %cond3A_174 = arith.cmpi ne, %convert_element_type3A_172, %cond3A_173 : i32
      scf.if %cond3A_174 {
        %dma_wait3A_296 = arith.constant 1 : i32
        %dma_wait3A_297 = arith.constant 0 : i32
        %dma_wait3A_298 = arith.constant 0 : i32
        %dma_wait3A_299 = tpu.memref_slice %arg7[%dma_wait3A_296, %dma_wait3A_297, %dma_wait3A_298] : memref<4x32x128xf32, #tpu.memory_space<vmem>> -> memref<1x32x128xf32, #tpu.memory_space<vmem>>
        %dma_wait3A_300 = tpu.memref_squeeze %dma_wait3A_299 : memref<1x32x128xf32, #tpu.memory_space<vmem>> -> memref<32x128xf32, #tpu.memory_space<vmem>>
        %dma_wait3A_301 = arith.constant 0 : i32
        %dma_wait3A_302 = tpu.memref_slice %arg4[%mul3A_2, %dma_wait3A_301] : memref<204800x128xf32, #tpu.memory_space<hbm>> -> memref<32x128xf32, #tpu.memory_space<hbm>>
        %dma_wait3A_303 = arith.constant 0 : i32
        %dma_wait3A_304 = tpu.memref_slice %arg4[%mul3A_2, %dma_wait3A_303] : memref<204800x128xf32, #tpu.memory_space<hbm>> -> memref<32x128xf32, #tpu.memory_space<hbm>>
        %dma_wait3A_305 = arith.constant 0 : i32
        %dma_wait3A_306 = arith.constant 0 : i32
        %dma_wait3A_307 = tpu.memref_slice %arg7[%dma_wait3A_296, %dma_wait3A_305, %dma_wait3A_306] : memref<4x32x128xf32, #tpu.memory_space<vmem>> -> memref<1x32x128xf32, #tpu.memory_space<vmem>>
        %dma_wait3A_308 = tpu.memref_squeeze %dma_wait3A_307 : memref<1x32x128xf32, #tpu.memory_space<vmem>> -> memref<32x128xf32, #tpu.memory_space<vmem>>
        tpu.wait_dma2 semaphore(%arg13 : memref<!tpu.dma_semaphore, #tpu.memory_space<semaphore_mem>>) src(%dma_wait3A_308 : memref<32x128xf32, #tpu.memory_space<vmem>>) dst(%dma_wait3A_304 : memref<32x128xf32, #tpu.memory_space<hbm>>)
      } else {
      }
      %parallel_loop3A_175 = arith.constant 0 : i32
      %parallel_loop3A_176 = arith.constant 128 : i32
      %parallel_loop3A_177 = arith.constant 1 : i32
      %parallel_loop3A_178 = arith.constant 1 : i32
      %parallel_loop3A_179 = arith.constant 1 : i32
      scf.for %parallel_loop3A_296 = %parallel_loop3A_175 to %parallel_loop3A_176 step %parallel_loop3A_177  : i32 {
        %parallel_loop3A_297 = arith.constant 4 : i32
        %parallel_loop3A_298 = arith.divsi %parallel_loop3A_296, %parallel_loop3A_297 : i32
        %parallel_loop3A_299 = arith.constant 0 : i32
        %parallel_loop3A_300 = arith.cmpi sgt, %parallel_loop3A_296, %parallel_loop3A_299 : i32
        %parallel_loop3A_301 = arith.extui %parallel_loop3A_300 : i1 to i32
        %parallel_loop3A_302 = arith.constant 0 : i32
        %parallel_loop3A_303 = arith.cmpi slt, %parallel_loop3A_296, %parallel_loop3A_302 : i32
        %parallel_loop3A_304 = arith.extui %parallel_loop3A_303 : i1 to i32
        %parallel_loop3A_305 = arith.subi %parallel_loop3A_301, %parallel_loop3A_304 : i32
        %parallel_loop3A_306 = arith.constant 0 : i32
        %parallel_loop3A_307 = arith.cmpi sgt, %parallel_loop3A_297, %parallel_loop3A_306 : i32
        %parallel_loop3A_308 = arith.extui %parallel_loop3A_307 : i1 to i32
        %parallel_loop3A_309 = arith.constant 0 : i32
        %parallel_loop3A_310 = arith.cmpi slt, %parallel_loop3A_297, %parallel_loop3A_309 : i32
        %parallel_loop3A_311 = arith.extui %parallel_loop3A_310 : i1 to i32
        %parallel_loop3A_312 = arith.subi %parallel_loop3A_308, %parallel_loop3A_311 : i32
        %parallel_loop3A_313 = arith.cmpi ne, %parallel_loop3A_305, %parallel_loop3A_312 : i32
        %parallel_loop3A_314 = arith.remsi %parallel_loop3A_296, %parallel_loop3A_297 : i32
        %parallel_loop3A_315 = arith.constant 0 : i32
        %parallel_loop3A_316 = arith.cmpi ne, %parallel_loop3A_314, %parallel_loop3A_315 : i32
        %parallel_loop3A_317 = arith.andi %parallel_loop3A_313, %parallel_loop3A_316 : i1
        %parallel_loop3A_318 = arith.constant 1 : i32
        %parallel_loop3A_319 = arith.subi %parallel_loop3A_298, %parallel_loop3A_318 : i32
        %parallel_loop3A_320 = arith.select %parallel_loop3A_317, %parallel_loop3A_319, %parallel_loop3A_298 : i32
        %parallel_loop3A_321 = arith.constant 4 : i32
        %parallel_loop3A_322 = arith.constant 0 : i32
        %parallel_loop3A_323 = arith.cmpi eq, %parallel_loop3A_321, %parallel_loop3A_322 : i32
        %parallel_loop3A_324 = arith.constant 1 : i32
        %parallel_loop3A_325 = arith.select %parallel_loop3A_323, %parallel_loop3A_324, %parallel_loop3A_321 : i32
        %parallel_loop3A_326 = arith.remsi %parallel_loop3A_296, %parallel_loop3A_325 : i32
        %parallel_loop3A_327 = arith.constant 0 : i32
        %parallel_loop3A_328 = arith.cmpi ne, %parallel_loop3A_326, %parallel_loop3A_327 : i32
        %parallel_loop3A_329 = arith.constant 0 : i32
        %parallel_loop3A_330 = arith.cmpi slt, %parallel_loop3A_326, %parallel_loop3A_329 : i32
        %parallel_loop3A_331 = arith.constant 0 : i32
        %parallel_loop3A_332 = arith.cmpi slt, %parallel_loop3A_325, %parallel_loop3A_331 : i32
        %parallel_loop3A_333 = arith.xori %parallel_loop3A_330, %parallel_loop3A_332 : i1
        %parallel_loop3A_334 = arith.andi %parallel_loop3A_333, %parallel_loop3A_328 : i1
        %parallel_loop3A_335 = arith.addi %parallel_loop3A_326, %parallel_loop3A_325 : i32
        %parallel_loop3A_336 = arith.select %parallel_loop3A_334, %parallel_loop3A_335, %parallel_loop3A_326 : i32
        %parallel_loop3A_337 = arith.constant 32 : i32
        %parallel_loop3A_338 = arith.muli %parallel_loop3A_336, %parallel_loop3A_337 : i32
        %parallel_loop3A_339 = arith.constant 0 : i32
        %parallel_loop3A_340 = arith.constant 0 : i32
        %parallel_loop3A_341 = tpu.memref_slice %arg6[%parallel_loop3A_178, %parallel_loop3A_339, %parallel_loop3A_340] : memref<4x128x32xf32, #tpu.memory_space<vmem>> -> memref<1x128x32xf32, #tpu.memory_space<vmem>>
        %parallel_loop3A_342 = tpu.memref_squeeze %parallel_loop3A_341 : memref<1x128x32xf32, #tpu.memory_space<vmem>> -> memref<128x32xf32, #tpu.memory_space<vmem>>
        %parallel_loop3A_343 = arith.index_cast %parallel_loop3A_296 : i32 to index
        %parallel_loop3A_344 = arith.constant 0 : index
        %parallel_loop3A_345 = tpu.vector_load %parallel_loop3A_342[%parallel_loop3A_343, %parallel_loop3A_344] {strides = array<i32>} : memref<128x32xf32, #tpu.memory_space<vmem>>, vector<1x16xf32>,
        %parallel_loop3A_346 = vector.shape_cast %parallel_loop3A_345 : vector<1x16xf32> to vector<16xf32>
        %parallel_loop3A_347 = vector.broadcast %scan3A : f32 to vector<16xf32>
        %parallel_loop3A_348 = arith.mulf %parallel_loop3A_346, %parallel_loop3A_347 : vector<16xf32>
        %parallel_loop3A_349 = arith.constant 0 : i32
        %parallel_loop3A_350 = arith.addi %parallel_loop3A_338, %parallel_loop3A_349 : i32
        %parallel_loop3A_351 = arith.constant 0 : i32
        %parallel_loop3A_352 = arith.constant 0 : i32
        %parallel_loop3A_353 = tpu.memref_slice %arg7[%parallel_loop3A_179, %parallel_loop3A_351, %parallel_loop3A_352] : memref<4x32x128xf32, #tpu.memory_space<vmem>> -> memref<1x32x128xf32, #tpu.memory_space<vmem>>
        %parallel_loop3A_354 = tpu.memref_squeeze %parallel_loop3A_353 : memref<1x32x128xf32, #tpu.memory_space<vmem>> -> memref<32x128xf32, #tpu.memory_space<vmem>>
        %parallel_loop3A_355 = arith.index_cast %parallel_loop3A_320 : i32 to index
        %parallel_loop3A_356 = arith.index_cast %parallel_loop3A_350 : i32 to index
        %parallel_loop3A_357 = tpu.vector_load %parallel_loop3A_354[%parallel_loop3A_355, %parallel_loop3A_356] {strides = array<i32>} : memref<32x128xf32, #tpu.memory_space<vmem>>, vector<1x16xf32>,
        %parallel_loop3A_358 = vector.shape_cast %parallel_loop3A_357 : vector<1x16xf32> to vector<16xf32>
        %parallel_loop3A_359 = vector.shape_cast %parallel_loop3A_348 : vector<16xf32> to vector<1x16xf32>
        tpu.vector_store %parallel_loop3A_354[%parallel_loop3A_355, %parallel_loop3A_356], %parallel_loop3A_359 {strides = array<i32>} : memref<32x128xf32, #tpu.memory_space<vmem>>, vector<1x16xf32>,
        %parallel_loop3A_360 = arith.constant 0 : i32
        %parallel_loop3A_361 = arith.constant 0 : i32
        %parallel_loop3A_362 = tpu.memref_slice %arg6[%parallel_loop3A_178, %parallel_loop3A_360, %parallel_loop3A_361] : memref<4x128x32xf32, #tpu.memory_space<vmem>> -> memref<1x128x32xf32, #tpu.memory_space<vmem>>
        %parallel_loop3A_363 = tpu.memref_squeeze %parallel_loop3A_362 : memref<1x128x32xf32, #tpu.memory_space<vmem>> -> memref<128x32xf32, #tpu.memory_space<vmem>>
        %parallel_loop3A_364 = arith.index_cast %parallel_loop3A_296 : i32 to index
        %parallel_loop3A_365 = arith.constant 16 : index
        %parallel_loop3A_366 = tpu.vector_load %parallel_loop3A_363[%parallel_loop3A_364, %parallel_loop3A_365] {strides = array<i32>} : memref<128x32xf32, #tpu.memory_space<vmem>>, vector<1x16xf32>,
        %parallel_loop3A_367 = vector.shape_cast %parallel_loop3A_366 : vector<1x16xf32> to vector<16xf32>
        %parallel_loop3A_368 = vector.broadcast %scan3A : f32 to vector<16xf32>
        %parallel_loop3A_369 = arith.mulf %parallel_loop3A_367, %parallel_loop3A_368 : vector<16xf32>
        %parallel_loop3A_370 = arith.constant 16 : i32
        %parallel_loop3A_371 = arith.addi %parallel_loop3A_338, %parallel_loop3A_370 : i32
        %parallel_loop3A_372 = arith.constant 0 : i32
        %parallel_loop3A_373 = arith.constant 0 : i32
        %parallel_loop3A_374 = tpu.memref_slice %arg7[%parallel_loop3A_179, %parallel_loop3A_372, %parallel_loop3A_373] : memref<4x32x128xf32, #tpu.memory_space<vmem>> -> memref<1x32x128xf32, #tpu.memory_space<vmem>>
        %parallel_loop3A_375 = tpu.memref_squeeze %parallel_loop3A_374 : memref<1x32x128xf32, #tpu.memory_space<vmem>> -> memref<32x128xf32, #tpu.memory_space<vmem>>
        %parallel_loop3A_376 = arith.index_cast %parallel_loop3A_320 : i32 to index
        %parallel_loop3A_377 = arith.index_cast %parallel_loop3A_371 : i32 to index
        %parallel_loop3A_378 = tpu.vector_load %parallel_loop3A_375[%parallel_loop3A_376, %parallel_loop3A_377] {strides = array<i32>} : memref<32x128xf32, #tpu.memory_space<vmem>>, vector<1x16xf32>,
        %parallel_loop3A_379 = vector.shape_cast %parallel_loop3A_378 : vector<1x16xf32> to vector<16xf32>
        %parallel_loop3A_380 = vector.shape_cast %parallel_loop3A_369 : vector<16xf32> to vector<1x16xf32>
        tpu.vector_store %parallel_loop3A_375[%parallel_loop3A_376, %parallel_loop3A_377], %parallel_loop3A_380 {strides = array<i32>} : memref<32x128xf32, #tpu.memory_space<vmem>>, vector<1x16xf32>,
      } {sc.loop_unroll_factor = 4 : i64, sc.parallel_access}
      %mul3A_180 = arith.constant 32 : i32
      %mul3A_181 = arith.muli %add3A_157, %mul3A_180 : i32
      %add3A_182 = arith.addi %mul3A_2, %mul3A_181 : i32
      %dma_start3A_183 = arith.constant 1 : i32
      %dma_start3A_184 = arith.constant 0 : i32
      %dma_start3A_185 = arith.constant 0 : i32
      %dma_start3A_186 = tpu.memref_slice %arg7[%dma_start3A_183, %dma_start3A_184, %dma_start3A_185] : memref<4x32x128xf32, #tpu.memory_space<vmem>> -> memref<1x32x128xf32, #tpu.memory_space<vmem>>
      %dma_start3A_187 = tpu.memref_squeeze %dma_start3A_186 : memref<1x32x128xf32, #tpu.memory_space<vmem>> -> memref<32x128xf32, #tpu.memory_space<vmem>>
      %dma_start3A_188 = arith.constant 0 : i32
      %dma_start3A_189 = tpu.memref_slice %arg4[%add3A_182, %dma_start3A_188] : memref<204800x128xf32, #tpu.memory_space<hbm>> -> memref<32x128xf32, #tpu.memory_space<hbm>>
      %dma_start3A_190 = arith.constant 0 : i32
      %dma_start3A_191 = tpu.memref_slice %arg4[%add3A_182, %dma_start3A_190] : memref<204800x128xf32, #tpu.memory_space<hbm>> -> memref<32x128xf32, #tpu.memory_space<hbm>>
      %dma_start3A_192 = arith.constant 0 : i32
      %dma_start3A_193 = arith.constant 0 : i32
      %dma_start3A_194 = tpu.memref_slice %arg7[%dma_start3A_183, %dma_start3A_192, %dma_start3A_193] : memref<4x32x128xf32, #tpu.memory_space<vmem>> -> memref<1x32x128xf32, #tpu.memory_space<vmem>>
      %dma_start3A_195 = tpu.memref_squeeze %dma_start3A_194 : memref<1x32x128xf32, #tpu.memory_space<vmem>> -> memref<32x128xf32, #tpu.memory_space<vmem>>
      tpu.enqueue_dma source(%dma_start3A_195 : memref<32x128xf32, #tpu.memory_space<vmem>>) target(%dma_start3A_191 : memref<32x128xf32, #tpu.memory_space<hbm>>) target_semaphore(%arg13 : memref<!tpu.dma_semaphore, #tpu.memory_space<semaphore_mem>>)
      %lt3A_196 = arith.constant 49 : i32
      %lt3A_197 = arith.cmpi slt, %scan3A_110, %lt3A_196 : i32
      %convert_element_type3A_198 = arith.extui %lt3A_197 : i1 to i32
      %cond3A_199 = arith.constant 0 : i32
      %cond3A_200 = arith.cmpi ne, %convert_element_type3A_198, %cond3A_199 : i32
      scf.if %cond3A_200 {
        %add3A_296 = arith.constant 4 : i32
        %add3A_297 = arith.addi %add3A_157, %add3A_296 : i32
        %dma_start3A_298 = arith.constant 1 : i32
        %dma_start3A_299 = arith.constant 0 : i32
        %dma_start3A_300 = arith.constant 0 : i32
        %dma_start3A_301 = tpu.memref_slice %arg6[%dma_start3A_298, %dma_start3A_299, %dma_start3A_300] : memref<4x128x32xf32, #tpu.memory_space<vmem>> -> memref<1x128x32xf32, #tpu.memory_space<vmem>>
        %dma_start3A_302 = tpu.memref_squeeze %dma_start3A_301 : memref<1x128x32xf32, #tpu.memory_space<vmem>> -> memref<128x32xf32, #tpu.memory_space<vmem>>
        %dma_start3A_303 = arith.constant 0 : i32
        %dma_start3A_304 = tpu.memref_slice %arg5[%add3A_297, %dma_start3A_303] : memref<200x128xi32, #tpu.memory_space<vmem>> -> memref<1x128xi32, #tpu.memory_space<vmem>>
        %dma_start3A_305 = tpu.memref_squeeze %dma_start3A_304 : memref<1x128xi32, #tpu.memory_space<vmem>> -> memref<128xi32, #tpu.memory_space<vmem>>
        %dma_start3A_306 = arith.constant 0 : i32
        %dma_start3A_307 = arith.constant 0 : i32
        %dma_start3A_308 = tpu.memref_slice %arg3[%dma_start3A_306, %dma_start3A_307] : memref<1000000x32xf32, #tpu.memory_space<hbm>> -> memref<1000000x32xf32, #tpu.memory_space<hbm>>
        tpu.enqueue_indirect_dma source(%dma_start3A_308 : memref<1000000x32xf32, #tpu.memory_space<hbm>>) target(%dma_start3A_302 : memref<128x32xf32, #tpu.memory_space<vmem>>) offsets(%dma_start3A_305 : memref<128xi32, #tpu.memory_space<vmem>>) semaphore(%arg9 : memref<!tpu.dma_semaphore, #tpu.memory_space<semaphore_mem>>)
      } else {
      }
      %mul3A_201 = arith.constant 4 : i32
      %mul3A_202 = arith.muli %scan3A_110, %mul3A_201 : i32
      %add3A_203 = arith.constant 2 : i32
      %add3A_204 = arith.addi %mul3A_202, %add3A_203 : i32
      %dma_wait3A_205 = arith.constant 0 : i32
      %dma_wait3A_206 = arith.constant 2 : i32
      %dma_wait3A_207 = arith.constant 0 : i32
      %dma_wait3A_208 = arith.constant 0 : i32
      %dma_wait3A_209 = tpu.memref_slice %arg6[%dma_wait3A_206, %dma_wait3A_207, %dma_wait3A_208] : memref<4x128x32xf32, #tpu.memory_space<vmem>> -> memref<1x128x32xf32, #tpu.memory_space<vmem>>
      %dma_wait3A_210 = tpu.memref_squeeze %dma_wait3A_209 : memref<1x128x32xf32, #tpu.memory_space<vmem>> -> memref<128x32xf32, #tpu.memory_space<vmem>>
      %dma_wait3A_211 = arith.constant 0 : i32
      %dma_wait3A_212 = tpu.memref_slice %arg5[%dma_wait3A_205, %dma_wait3A_211] : memref<200x128xi32, #tpu.memory_space<vmem>> -> memref<1x128xi32, #tpu.memory_space<vmem>>
      %dma_wait3A_213 = tpu.memref_squeeze %dma_wait3A_212 : memref<1x128xi32, #tpu.memory_space<vmem>> -> memref<128xi32, #tpu.memory_space<vmem>>
      %dma_wait3A_214 = arith.constant 0 : i32
      %dma_wait3A_215 = arith.constant 0 : i32
      %dma_wait3A_216 = tpu.memref_slice %arg3[%dma_wait3A_214, %dma_wait3A_215] : memref<1000000x32xf32, #tpu.memory_space<hbm>> -> memref<1000000x32xf32, #tpu.memory_space<hbm>>
      tpu.wait_indirect_dma semaphore(%arg10 : memref<!tpu.dma_semaphore, #tpu.memory_space<semaphore_mem>>) src(%dma_wait3A_216 : memref<1000000x32xf32, #tpu.memory_space<hbm>>) dst(%dma_wait3A_210 : memref<128x32xf32, #tpu.memory_space<vmem>>)
      %gt3A_217 = arith.constant 0 : i32
      %gt3A_218 = arith.cmpi sgt, %scan3A_110, %gt3A_217 : i32
      %convert_element_type3A_219 = arith.extui %gt3A_218 : i1 to i32
      %cond3A_220 = arith.constant 0 : i32
      %cond3A_221 = arith.cmpi ne, %convert_element_type3A_219, %cond3A_220 : i32
      scf.if %cond3A_221 {
        %dma_wait3A_296 = arith.constant 2 : i32
        %dma_wait3A_297 = arith.constant 0 : i32
        %dma_wait3A_298 = arith.constant 0 : i32
        %dma_wait3A_299 = tpu.memref_slice %arg7[%dma_wait3A_296, %dma_wait3A_297, %dma_wait3A_298] : memref<4x32x128xf32, #tpu.memory_space<vmem>> -> memref<1x32x128xf32, #tpu.memory_space<vmem>>
        %dma_wait3A_300 = tpu.memref_squeeze %dma_wait3A_299 : memref<1x32x128xf32, #tpu.memory_space<vmem>> -> memref<32x128xf32, #tpu.memory_space<vmem>>
        %dma_wait3A_301 = arith.constant 0 : i32
        %dma_wait3A_302 = tpu.memref_slice %arg4[%mul3A_2, %dma_wait3A_301] : memref<204800x128xf32, #tpu.memory_space<hbm>> -> memref<32x128xf32, #tpu.memory_space<hbm>>
        %dma_wait3A_303 = arith.constant 0 : i32
        %dma_wait3A_304 = tpu.memref_slice %arg4[%mul3A_2, %dma_wait3A_303] : memref<204800x128xf32, #tpu.memory_space<hbm>> -> memref<32x128xf32, #tpu.memory_space<hbm>>
        %dma_wait3A_305 = arith.constant 0 : i32
        %dma_wait3A_306 = arith.constant 0 : i32
        %dma_wait3A_307 = tpu.memref_slice %arg7[%dma_wait3A_296, %dma_wait3A_305, %dma_wait3A_306] : memref<4x32x128xf32, #tpu.memory_space<vmem>> -> memref<1x32x128xf32, #tpu.memory_space<vmem>>
        %dma_wait3A_308 = tpu.memref_squeeze %dma_wait3A_307 : memref<1x32x128xf32, #tpu.memory_space<vmem>> -> memref<32x128xf32, #tpu.memory_space<vmem>>
        tpu.wait_dma2 semaphore(%arg14 : memref<!tpu.dma_semaphore, #tpu.memory_space<semaphore_mem>>) src(%dma_wait3A_308 : memref<32x128xf32, #tpu.memory_space<vmem>>) dst(%dma_wait3A_304 : memref<32x128xf32, #tpu.memory_space<hbm>>)
      } else {
      }
      %parallel_loop3A_222 = arith.constant 0 : i32
      %parallel_loop3A_223 = arith.constant 128 : i32
      %parallel_loop3A_224 = arith.constant 1 : i32
      %parallel_loop3A_225 = arith.constant 2 : i32
      %parallel_loop3A_226 = arith.constant 2 : i32
      scf.for %parallel_loop3A_296 = %parallel_loop3A_222 to %parallel_loop3A_223 step %parallel_loop3A_224  : i32 {
        %parallel_loop3A_297 = arith.constant 4 : i32
        %parallel_loop3A_298 = arith.divsi %parallel_loop3A_296, %parallel_loop3A_297 : i32
        %parallel_loop3A_299 = arith.constant 0 : i32
        %parallel_loop3A_300 = arith.cmpi sgt, %parallel_loop3A_296, %parallel_loop3A_299 : i32
        %parallel_loop3A_301 = arith.extui %parallel_loop3A_300 : i1 to i32
        %parallel_loop3A_302 = arith.constant 0 : i32
        %parallel_loop3A_303 = arith.cmpi slt, %parallel_loop3A_296, %parallel_loop3A_302 : i32
        %parallel_loop3A_304 = arith.extui %parallel_loop3A_303 : i1 to i32
        %parallel_loop3A_305 = arith.subi %parallel_loop3A_301, %parallel_loop3A_304 : i32
        %parallel_loop3A_306 = arith.constant 0 : i32
        %parallel_loop3A_307 = arith.cmpi sgt, %parallel_loop3A_297, %parallel_loop3A_306 : i32
        %parallel_loop3A_308 = arith.extui %parallel_loop3A_307 : i1 to i32
        %parallel_loop3A_309 = arith.constant 0 : i32
        %parallel_loop3A_310 = arith.cmpi slt, %parallel_loop3A_297, %parallel_loop3A_309 : i32
        %parallel_loop3A_311 = arith.extui %parallel_loop3A_310 : i1 to i32
        %parallel_loop3A_312 = arith.subi %parallel_loop3A_308, %parallel_loop3A_311 : i32
        %parallel_loop3A_313 = arith.cmpi ne, %parallel_loop3A_305, %parallel_loop3A_312 : i32
        %parallel_loop3A_314 = arith.remsi %parallel_loop3A_296, %parallel_loop3A_297 : i32
        %parallel_loop3A_315 = arith.constant 0 : i32
        %parallel_loop3A_316 = arith.cmpi ne, %parallel_loop3A_314, %parallel_loop3A_315 : i32
        %parallel_loop3A_317 = arith.andi %parallel_loop3A_313, %parallel_loop3A_316 : i1
        %parallel_loop3A_318 = arith.constant 1 : i32
        %parallel_loop3A_319 = arith.subi %parallel_loop3A_298, %parallel_loop3A_318 : i32
        %parallel_loop3A_320 = arith.select %parallel_loop3A_317, %parallel_loop3A_319, %parallel_loop3A_298 : i32
        %parallel_loop3A_321 = arith.constant 4 : i32
        %parallel_loop3A_322 = arith.constant 0 : i32
        %parallel_loop3A_323 = arith.cmpi eq, %parallel_loop3A_321, %parallel_loop3A_322 : i32
        %parallel_loop3A_324 = arith.constant 1 : i32
        %parallel_loop3A_325 = arith.select %parallel_loop3A_323, %parallel_loop3A_324, %parallel_loop3A_321 : i32
        %parallel_loop3A_326 = arith.remsi %parallel_loop3A_296, %parallel_loop3A_325 : i32
        %parallel_loop3A_327 = arith.constant 0 : i32
        %parallel_loop3A_328 = arith.cmpi ne, %parallel_loop3A_326, %parallel_loop3A_327 : i32
        %parallel_loop3A_329 = arith.constant 0 : i32
        %parallel_loop3A_330 = arith.cmpi slt, %parallel_loop3A_326, %parallel_loop3A_329 : i32
        %parallel_loop3A_331 = arith.constant 0 : i32
        %parallel_loop3A_332 = arith.cmpi slt, %parallel_loop3A_325, %parallel_loop3A_331 : i32
        %parallel_loop3A_333 = arith.xori %parallel_loop3A_330, %parallel_loop3A_332 : i1
        %parallel_loop3A_334 = arith.andi %parallel_loop3A_333, %parallel_loop3A_328 : i1
        %parallel_loop3A_335 = arith.addi %parallel_loop3A_326, %parallel_loop3A_325 : i32
        %parallel_loop3A_336 = arith.select %parallel_loop3A_334, %parallel_loop3A_335, %parallel_loop3A_326 : i32
        %parallel_loop3A_337 = arith.constant 32 : i32
        %parallel_loop3A_338 = arith.muli %parallel_loop3A_336, %parallel_loop3A_337 : i32
        %parallel_loop3A_339 = arith.constant 0 : i32
        %parallel_loop3A_340 = arith.constant 0 : i32
        %parallel_loop3A_341 = tpu.memref_slice %arg6[%parallel_loop3A_225, %parallel_loop3A_339, %parallel_loop3A_340] : memref<4x128x32xf32, #tpu.memory_space<vmem>> -> memref<1x128x32xf32, #tpu.memory_space<vmem>>
        %parallel_loop3A_342 = tpu.memref_squeeze %parallel_loop3A_341 : memref<1x128x32xf32, #tpu.memory_space<vmem>> -> memref<128x32xf32, #tpu.memory_space<vmem>>
        %parallel_loop3A_343 = arith.index_cast %parallel_loop3A_296 : i32 to index
        %parallel_loop3A_344 = arith.constant 0 : index
        %parallel_loop3A_345 = tpu.vector_load %parallel_loop3A_342[%parallel_loop3A_343, %parallel_loop3A_344] {strides = array<i32>} : memref<128x32xf32, #tpu.memory_space<vmem>>, vector<1x16xf32>,
        %parallel_loop3A_346 = vector.shape_cast %parallel_loop3A_345 : vector<1x16xf32> to vector<16xf32>
        %parallel_loop3A_347 = vector.broadcast %scan3A : f32 to vector<16xf32>
        %parallel_loop3A_348 = arith.mulf %parallel_loop3A_346, %parallel_loop3A_347 : vector<16xf32>
        %parallel_loop3A_349 = arith.constant 0 : i32
        %parallel_loop3A_350 = arith.addi %parallel_loop3A_338, %parallel_loop3A_349 : i32
        %parallel_loop3A_351 = arith.constant 0 : i32
        %parallel_loop3A_352 = arith.constant 0 : i32
        %parallel_loop3A_353 = tpu.memref_slice %arg7[%parallel_loop3A_226, %parallel_loop3A_351, %parallel_loop3A_352] : memref<4x32x128xf32, #tpu.memory_space<vmem>> -> memref<1x32x128xf32, #tpu.memory_space<vmem>>
        %parallel_loop3A_354 = tpu.memref_squeeze %parallel_loop3A_353 : memref<1x32x128xf32, #tpu.memory_space<vmem>> -> memref<32x128xf32, #tpu.memory_space<vmem>>
        %parallel_loop3A_355 = arith.index_cast %parallel_loop3A_320 : i32 to index
        %parallel_loop3A_356 = arith.index_cast %parallel_loop3A_350 : i32 to index
        %parallel_loop3A_357 = tpu.vector_load %parallel_loop3A_354[%parallel_loop3A_355, %parallel_loop3A_356] {strides = array<i32>} : memref<32x128xf32, #tpu.memory_space<vmem>>, vector<1x16xf32>,
        %parallel_loop3A_358 = vector.shape_cast %parallel_loop3A_357 : vector<1x16xf32> to vector<16xf32>
        %parallel_loop3A_359 = vector.shape_cast %parallel_loop3A_348 : vector<16xf32> to vector<1x16xf32>
        tpu.vector_store %parallel_loop3A_354[%parallel_loop3A_355, %parallel_loop3A_356], %parallel_loop3A_359 {strides = array<i32>} : memref<32x128xf32, #tpu.memory_space<vmem>>, vector<1x16xf32>,
        %parallel_loop3A_360 = arith.constant 0 : i32
        %parallel_loop3A_361 = arith.constant 0 : i32
        %parallel_loop3A_362 = tpu.memref_slice %arg6[%parallel_loop3A_225, %parallel_loop3A_360, %parallel_loop3A_361] : memref<4x128x32xf32, #tpu.memory_space<vmem>> -> memref<1x128x32xf32, #tpu.memory_space<vmem>>
        %parallel_loop3A_363 = tpu.memref_squeeze %parallel_loop3A_362 : memref<1x128x32xf32, #tpu.memory_space<vmem>> -> memref<128x32xf32, #tpu.memory_space<vmem>>
        %parallel_loop3A_364 = arith.index_cast %parallel_loop3A_296 : i32 to index
        %parallel_loop3A_365 = arith.constant 16 : index
        %parallel_loop3A_366 = tpu.vector_load %parallel_loop3A_363[%parallel_loop3A_364, %parallel_loop3A_365] {strides = array<i32>} : memref<128x32xf32, #tpu.memory_space<vmem>>, vector<1x16xf32>,
        %parallel_loop3A_367 = vector.shape_cast %parallel_loop3A_366 : vector<1x16xf32> to vector<16xf32>
        %parallel_loop3A_368 = vector.broadcast %scan3A : f32 to vector<16xf32>
        %parallel_loop3A_369 = arith.mulf %parallel_loop3A_367, %parallel_loop3A_368 : vector<16xf32>
        %parallel_loop3A_370 = arith.constant 16 : i32
        %parallel_loop3A_371 = arith.addi %parallel_loop3A_338, %parallel_loop3A_370 : i32
        %parallel_loop3A_372 = arith.constant 0 : i32
        %parallel_loop3A_373 = arith.constant 0 : i32
        %parallel_loop3A_374 = tpu.memref_slice %arg7[%parallel_loop3A_226, %parallel_loop3A_372, %parallel_loop3A_373] : memref<4x32x128xf32, #tpu.memory_space<vmem>> -> memref<1x32x128xf32, #tpu.memory_space<vmem>>
        %parallel_loop3A_375 = tpu.memref_squeeze %parallel_loop3A_374 : memref<1x32x128xf32, #tpu.memory_space<vmem>> -> memref<32x128xf32, #tpu.memory_space<vmem>>
        %parallel_loop3A_376 = arith.index_cast %parallel_loop3A_320 : i32 to index
        %parallel_loop3A_377 = arith.index_cast %parallel_loop3A_371 : i32 to index
        %parallel_loop3A_378 = tpu.vector_load %parallel_loop3A_375[%parallel_loop3A_376, %parallel_loop3A_377] {strides = array<i32>} : memref<32x128xf32, #tpu.memory_space<vmem>>, vector<1x16xf32>,
        %parallel_loop3A_379 = vector.shape_cast %parallel_loop3A_378 : vector<1x16xf32> to vector<16xf32>
        %parallel_loop3A_380 = vector.shape_cast %parallel_loop3A_369 : vector<16xf32> to vector<1x16xf32>
        tpu.vector_store %parallel_loop3A_375[%parallel_loop3A_376, %parallel_loop3A_377], %parallel_loop3A_380 {strides = array<i32>} : memref<32x128xf32, #tpu.memory_space<vmem>>, vector<1x16xf32>,
      } {sc.loop_unroll_factor = 4 : i64, sc.parallel_access}
      %mul3A_227 = arith.constant 32 : i32
      %mul3A_228 = arith.muli %add3A_204, %mul3A_227 : i32
      %add3A_229 = arith.addi %mul3A_2, %mul3A_228 : i32
      %dma_start3A_230 = arith.constant 2 : i32
      %dma_start3A_231 = arith.constant 0 : i32
      %dma_start3A_232 = arith.constant 0 : i32
      %dma_start3A_233 = tpu.memref_slice %arg7[%dma_start3A_230, %dma_start3A_231, %dma_start3A_232] : memref<4x32x128xf32, #tpu.memory_space<vmem>> -> memref<1x32x128xf32, #tpu.memory_space<vmem>>
      %dma_start3A_234 = tpu.memref_squeeze %dma_start3A_233 : memref<1x32x128xf32, #tpu.memory_space<vmem>> -> memref<32x128xf32, #tpu.memory_space<vmem>>
      %dma_start3A_235 = arith.constant 0 : i32
      %dma_start3A_236 = tpu.memref_slice %arg4[%add3A_229, %dma_start3A_235] : memref<204800x128xf32, #tpu.memory_space<hbm>> -> memref<32x128xf32, #tpu.memory_space<hbm>>
      %dma_start3A_237 = arith.constant 0 : i32
      %dma_start3A_238 = tpu.memref_slice %arg4[%add3A_229, %dma_start3A_237] : memref<204800x128xf32, #tpu.memory_space<hbm>> -> memref<32x128xf32, #tpu.memory_space<hbm>>
      %dma_start3A_239 = arith.constant 0 : i32
      %dma_start3A_240 = arith.constant 0 : i32
      %dma_start3A_241 = tpu.memref_slice %arg7[%dma_start3A_230, %dma_start3A_239, %dma_start3A_240] : memref<4x32x128xf32, #tpu.memory_space<vmem>> -> memref<1x32x128xf32, #tpu.memory_space<vmem>>
      %dma_start3A_242 = tpu.memref_squeeze %dma_start3A_241 : memref<1x32x128xf32, #tpu.memory_space<vmem>> -> memref<32x128xf32, #tpu.memory_space<vmem>>
      tpu.enqueue_dma source(%dma_start3A_242 : memref<32x128xf32, #tpu.memory_space<vmem>>) target(%dma_start3A_238 : memref<32x128xf32, #tpu.memory_space<hbm>>) target_semaphore(%arg14 : memref<!tpu.dma_semaphore, #tpu.memory_space<semaphore_mem>>)
      %lt3A_243 = arith.constant 49 : i32
      %lt3A_244 = arith.cmpi slt, %scan3A_110, %lt3A_243 : i32
      %convert_element_type3A_245 = arith.extui %lt3A_244 : i1 to i32
      %cond3A_246 = arith.constant 0 : i32
      %cond3A_247 = arith.cmpi ne, %convert_element_type3A_245, %cond3A_246 : i32
      scf.if %cond3A_247 {
        %add3A_296 = arith.constant 4 : i32
        %add3A_297 = arith.addi %add3A_204, %add3A_296 : i32
        %dma_start3A_298 = arith.constant 2 : i32
        %dma_start3A_299 = arith.constant 0 : i32
        %dma_start3A_300 = arith.constant 0 : i32
        %dma_start3A_301 = tpu.memref_slice %arg6[%dma_start3A_298, %dma_start3A_299, %dma_start3A_300] : memref<4x128x32xf32, #tpu.memory_space<vmem>> -> memref<1x128x32xf32, #tpu.memory_space<vmem>>
        %dma_start3A_302 = tpu.memref_squeeze %dma_start3A_301 : memref<1x128x32xf32, #tpu.memory_space<vmem>> -> memref<128x32xf32, #tpu.memory_space<vmem>>
        %dma_start3A_303 = arith.constant 0 : i32
        %dma_start3A_304 = tpu.memref_slice %arg5[%add3A_297, %dma_start3A_303] : memref<200x128xi32, #tpu.memory_space<vmem>> -> memref<1x128xi32, #tpu.memory_space<vmem>>
        %dma_start3A_305 = tpu.memref_squeeze %dma_start3A_304 : memref<1x128xi32, #tpu.memory_space<vmem>> -> memref<128xi32, #tpu.memory_space<vmem>>
        %dma_start3A_306 = arith.constant 0 : i32
        %dma_start3A_307 = arith.constant 0 : i32
        %dma_start3A_308 = tpu.memref_slice %arg3[%dma_start3A_306, %dma_start3A_307] : memref<1000000x32xf32, #tpu.memory_space<hbm>> -> memref<1000000x32xf32, #tpu.memory_space<hbm>>
        tpu.enqueue_indirect_dma source(%dma_start3A_308 : memref<1000000x32xf32, #tpu.memory_space<hbm>>) target(%dma_start3A_302 : memref<128x32xf32, #tpu.memory_space<vmem>>) offsets(%dma_start3A_305 : memref<128xi32, #tpu.memory_space<vmem>>) semaphore(%arg10 : memref<!tpu.dma_semaphore, #tpu.memory_space<semaphore_mem>>)
      } else {
      }
      %mul3A_248 = arith.constant 4 : i32
      %mul3A_249 = arith.muli %scan3A_110, %mul3A_248 : i32
      %add3A_250 = arith.constant 3 : i32
      %add3A_251 = arith.addi %mul3A_249, %add3A_250 : i32
      %dma_wait3A_252 = arith.constant 0 : i32
      %dma_wait3A_253 = arith.constant 3 : i32
      %dma_wait3A_254 = arith.constant 0 : i32
      %dma_wait3A_255 = arith.constant 0 : i32
      %dma_wait3A_256 = tpu.memref_slice %arg6[%dma_wait3A_253, %dma_wait3A_254, %dma_wait3A_255] : memref<4x128x32xf32, #tpu.memory_space<vmem>> -> memref<1x128x32xf32, #tpu.memory_space<vmem>>
      %dma_wait3A_257 = tpu.memref_squeeze %dma_wait3A_256 : memref<1x128x32xf32, #tpu.memory_space<vmem>> -> memref<128x32xf32, #tpu.memory_space<vmem>>
      %dma_wait3A_258 = arith.constant 0 : i32
      %dma_wait3A_259 = tpu.memref_slice %arg5[%dma_wait3A_252, %dma_wait3A_258] : memref<200x128xi32, #tpu.memory_space<vmem>> -> memref<1x128xi32, #tpu.memory_space<vmem>>
      %dma_wait3A_260 = tpu.memref_squeeze %dma_wait3A_259 : memref<1x128xi32, #tpu.memory_space<vmem>> -> memref<128xi32, #tpu.memory_space<vmem>>
      %dma_wait3A_261 = arith.constant 0 : i32
      %dma_wait3A_262 = arith.constant 0 : i32
      %dma_wait3A_263 = tpu.memref_slice %arg3[%dma_wait3A_261, %dma_wait3A_262] : memref<1000000x32xf32, #tpu.memory_space<hbm>> -> memref<1000000x32xf32, #tpu.memory_space<hbm>>
      tpu.wait_indirect_dma semaphore(%arg11 : memref<!tpu.dma_semaphore, #tpu.memory_space<semaphore_mem>>) src(%dma_wait3A_263 : memref<1000000x32xf32, #tpu.memory_space<hbm>>) dst(%dma_wait3A_257 : memref<128x32xf32, #tpu.memory_space<vmem>>)
      %gt3A_264 = arith.constant 0 : i32
      %gt3A_265 = arith.cmpi sgt, %scan3A_110, %gt3A_264 : i32
      %convert_element_type3A_266 = arith.extui %gt3A_265 : i1 to i32
      %cond3A_267 = arith.constant 0 : i32
      %cond3A_268 = arith.cmpi ne, %convert_element_type3A_266, %cond3A_267 : i32
      scf.if %cond3A_268 {
        %dma_wait3A_296 = arith.constant 3 : i32
        %dma_wait3A_297 = arith.constant 0 : i32
        %dma_wait3A_298 = arith.constant 0 : i32
        %dma_wait3A_299 = tpu.memref_slice %arg7[%dma_wait3A_296, %dma_wait3A_297, %dma_wait3A_298] : memref<4x32x128xf32, #tpu.memory_space<vmem>> -> memref<1x32x128xf32, #tpu.memory_space<vmem>>
        %dma_wait3A_300 = tpu.memref_squeeze %dma_wait3A_299 : memref<1x32x128xf32, #tpu.memory_space<vmem>> -> memref<32x128xf32, #tpu.memory_space<vmem>>
        %dma_wait3A_301 = arith.constant 0 : i32
        %dma_wait3A_302 = tpu.memref_slice %arg4[%mul3A_2, %dma_wait3A_301] : memref<204800x128xf32, #tpu.memory_space<hbm>> -> memref<32x128xf32, #tpu.memory_space<hbm>>
        %dma_wait3A_303 = arith.constant 0 : i32
        %dma_wait3A_304 = tpu.memref_slice %arg4[%mul3A_2, %dma_wait3A_303] : memref<204800x128xf32, #tpu.memory_space<hbm>> -> memref<32x128xf32, #tpu.memory_space<hbm>>
        %dma_wait3A_305 = arith.constant 0 : i32
        %dma_wait3A_306 = arith.constant 0 : i32
        %dma_wait3A_307 = tpu.memref_slice %arg7[%dma_wait3A_296, %dma_wait3A_305, %dma_wait3A_306] : memref<4x32x128xf32, #tpu.memory_space<vmem>> -> memref<1x32x128xf32, #tpu.memory_space<vmem>>
        %dma_wait3A_308 = tpu.memref_squeeze %dma_wait3A_307 : memref<1x32x128xf32, #tpu.memory_space<vmem>> -> memref<32x128xf32, #tpu.memory_space<vmem>>
        tpu.wait_dma2 semaphore(%arg15 : memref<!tpu.dma_semaphore, #tpu.memory_space<semaphore_mem>>) src(%dma_wait3A_308 : memref<32x128xf32, #tpu.memory_space<vmem>>) dst(%dma_wait3A_304 : memref<32x128xf32, #tpu.memory_space<hbm>>)
      } else {
      }
      %parallel_loop3A_269 = arith.constant 0 : i32
      %parallel_loop3A_270 = arith.constant 128 : i32
      %parallel_loop3A_271 = arith.constant 1 : i32
      %parallel_loop3A_272 = arith.constant 3 : i32
      %parallel_loop3A_273 = arith.constant 3 : i32
      scf.for %parallel_loop3A_296 = %parallel_loop3A_269 to %parallel_loop3A_270 step %parallel_loop3A_271  : i32 {
        %parallel_loop3A_297 = arith.constant 4 : i32
        %parallel_loop3A_298 = arith.divsi %parallel_loop3A_296, %parallel_loop3A_297 : i32
        %parallel_loop3A_299 = arith.constant 0 : i32
        %parallel_loop3A_300 = arith.cmpi sgt, %parallel_loop3A_296, %parallel_loop3A_299 : i32
        %parallel_loop3A_301 = arith.extui %parallel_loop3A_300 : i1 to i32
        %parallel_loop3A_302 = arith.constant 0 : i32
        %parallel_loop3A_303 = arith.cmpi slt, %parallel_loop3A_296, %parallel_loop3A_302 : i32
        %parallel_loop3A_304 = arith.extui %parallel_loop3A_303 : i1 to i32
        %parallel_loop3A_305 = arith.subi %parallel_loop3A_301, %parallel_loop3A_304 : i32
        %parallel_loop3A_306 = arith.constant 0 : i32
        %parallel_loop3A_307 = arith.cmpi sgt, %parallel_loop3A_297, %parallel_loop3A_306 : i32
        %parallel_loop3A_308 = arith.extui %parallel_loop3A_307 : i1 to i32
        %parallel_loop3A_309 = arith.constant 0 : i32
        %parallel_loop3A_310 = arith.cmpi slt, %parallel_loop3A_297, %parallel_loop3A_309 : i32
        %parallel_loop3A_311 = arith.extui %parallel_loop3A_310 : i1 to i32
        %parallel_loop3A_312 = arith.subi %parallel_loop3A_308, %parallel_loop3A_311 : i32
        %parallel_loop3A_313 = arith.cmpi ne, %parallel_loop3A_305, %parallel_loop3A_312 : i32
        %parallel_loop3A_314 = arith.remsi %parallel_loop3A_296, %parallel_loop3A_297 : i32
        %parallel_loop3A_315 = arith.constant 0 : i32
        %parallel_loop3A_316 = arith.cmpi ne, %parallel_loop3A_314, %parallel_loop3A_315 : i32
        %parallel_loop3A_317 = arith.andi %parallel_loop3A_313, %parallel_loop3A_316 : i1
        %parallel_loop3A_318 = arith.constant 1 : i32
        %parallel_loop3A_319 = arith.subi %parallel_loop3A_298, %parallel_loop3A_318 : i32
        %parallel_loop3A_320 = arith.select %parallel_loop3A_317, %parallel_loop3A_319, %parallel_loop3A_298 : i32
        %parallel_loop3A_321 = arith.constant 4 : i32
        %parallel_loop3A_322 = arith.constant 0 : i32
        %parallel_loop3A_323 = arith.cmpi eq, %parallel_loop3A_321, %parallel_loop3A_322 : i32
        %parallel_loop3A_324 = arith.constant 1 : i32
        %parallel_loop3A_325 = arith.select %parallel_loop3A_323, %parallel_loop3A_324, %parallel_loop3A_321 : i32
        %parallel_loop3A_326 = arith.remsi %parallel_loop3A_296, %parallel_loop3A_325 : i32
        %parallel_loop3A_327 = arith.constant 0 : i32
        %parallel_loop3A_328 = arith.cmpi ne, %parallel_loop3A_326, %parallel_loop3A_327 : i32
        %parallel_loop3A_329 = arith.constant 0 : i32
        %parallel_loop3A_330 = arith.cmpi slt, %parallel_loop3A_326, %parallel_loop3A_329 : i32
        %parallel_loop3A_331 = arith.constant 0 : i32
        %parallel_loop3A_332 = arith.cmpi slt, %parallel_loop3A_325, %parallel_loop3A_331 : i32
        %parallel_loop3A_333 = arith.xori %parallel_loop3A_330, %parallel_loop3A_332 : i1
        %parallel_loop3A_334 = arith.andi %parallel_loop3A_333, %parallel_loop3A_328 : i1
        %parallel_loop3A_335 = arith.addi %parallel_loop3A_326, %parallel_loop3A_325 : i32
        %parallel_loop3A_336 = arith.select %parallel_loop3A_334, %parallel_loop3A_335, %parallel_loop3A_326 : i32
        %parallel_loop3A_337 = arith.constant 32 : i32
        %parallel_loop3A_338 = arith.muli %parallel_loop3A_336, %parallel_loop3A_337 : i32
        %parallel_loop3A_339 = arith.constant 0 : i32
        %parallel_loop3A_340 = arith.constant 0 : i32
        %parallel_loop3A_341 = tpu.memref_slice %arg6[%parallel_loop3A_272, %parallel_loop3A_339, %parallel_loop3A_340] : memref<4x128x32xf32, #tpu.memory_space<vmem>> -> memref<1x128x32xf32, #tpu.memory_space<vmem>>
        %parallel_loop3A_342 = tpu.memref_squeeze %parallel_loop3A_341 : memref<1x128x32xf32, #tpu.memory_space<vmem>> -> memref<128x32xf32, #tpu.memory_space<vmem>>
        %parallel_loop3A_343 = arith.index_cast %parallel_loop3A_296 : i32 to index
        %parallel_loop3A_344 = arith.constant 0 : index
        %parallel_loop3A_345 = tpu.vector_load %parallel_loop3A_342[%parallel_loop3A_343, %parallel_loop3A_344] {strides = array<i32>} : memref<128x32xf32, #tpu.memory_space<vmem>>, vector<1x16xf32>,
        %parallel_loop3A_346 = vector.shape_cast %parallel_loop3A_345 : vector<1x16xf32> to vector<16xf32>
        %parallel_loop3A_347 = vector.broadcast %scan3A : f32 to vector<16xf32>
        %parallel_loop3A_348 = arith.mulf %parallel_loop3A_346, %parallel_loop3A_347 : vector<16xf32>
        %parallel_loop3A_349 = arith.constant 0 : i32
        %parallel_loop3A_350 = arith.addi %parallel_loop3A_338, %parallel_loop3A_349 : i32
        %parallel_loop3A_351 = arith.constant 0 : i32
        %parallel_loop3A_352 = arith.constant 0 : i32
        %parallel_loop3A_353 = tpu.memref_slice %arg7[%parallel_loop3A_273, %parallel_loop3A_351, %parallel_loop3A_352] : memref<4x32x128xf32, #tpu.memory_space<vmem>> -> memref<1x32x128xf32, #tpu.memory_space<vmem>>
        %parallel_loop3A_354 = tpu.memref_squeeze %parallel_loop3A_353 : memref<1x32x128xf32, #tpu.memory_space<vmem>> -> memref<32x128xf32, #tpu.memory_space<vmem>>
        %parallel_loop3A_355 = arith.index_cast %parallel_loop3A_320 : i32 to index
        %parallel_loop3A_356 = arith.index_cast %parallel_loop3A_350 : i32 to index
        %parallel_loop3A_357 = tpu.vector_load %parallel_loop3A_354[%parallel_loop3A_355, %parallel_loop3A_356] {strides = array<i32>} : memref<32x128xf32, #tpu.memory_space<vmem>>, vector<1x16xf32>,
        %parallel_loop3A_358 = vector.shape_cast %parallel_loop3A_357 : vector<1x16xf32> to vector<16xf32>
        %parallel_loop3A_359 = vector.shape_cast %parallel_loop3A_348 : vector<16xf32> to vector<1x16xf32>
        tpu.vector_store %parallel_loop3A_354[%parallel_loop3A_355, %parallel_loop3A_356], %parallel_loop3A_359 {strides = array<i32>} : memref<32x128xf32, #tpu.memory_space<vmem>>, vector<1x16xf32>,
        %parallel_loop3A_360 = arith.constant 0 : i32
        %parallel_loop3A_361 = arith.constant 0 : i32
        %parallel_loop3A_362 = tpu.memref_slice %arg6[%parallel_loop3A_272, %parallel_loop3A_360, %parallel_loop3A_361] : memref<4x128x32xf32, #tpu.memory_space<vmem>> -> memref<1x128x32xf32, #tpu.memory_space<vmem>>
        %parallel_loop3A_363 = tpu.memref_squeeze %parallel_loop3A_362 : memref<1x128x32xf32, #tpu.memory_space<vmem>> -> memref<128x32xf32, #tpu.memory_space<vmem>>
        %parallel_loop3A_364 = arith.index_cast %parallel_loop3A_296 : i32 to index
        %parallel_loop3A_365 = arith.constant 16 : index
        %parallel_loop3A_366 = tpu.vector_load %parallel_loop3A_363[%parallel_loop3A_364, %parallel_loop3A_365] {strides = array<i32>} : memref<128x32xf32, #tpu.memory_space<vmem>>, vector<1x16xf32>,
        %parallel_loop3A_367 = vector.shape_cast %parallel_loop3A_366 : vector<1x16xf32> to vector<16xf32>
        %parallel_loop3A_368 = vector.broadcast %scan3A : f32 to vector<16xf32>
        %parallel_loop3A_369 = arith.mulf %parallel_loop3A_367, %parallel_loop3A_368 : vector<16xf32>
        %parallel_loop3A_370 = arith.constant 16 : i32
        %parallel_loop3A_371 = arith.addi %parallel_loop3A_338, %parallel_loop3A_370 : i32
        %parallel_loop3A_372 = arith.constant 0 : i32
        %parallel_loop3A_373 = arith.constant 0 : i32
        %parallel_loop3A_374 = tpu.memref_slice %arg7[%parallel_loop3A_273, %parallel_loop3A_372, %parallel_loop3A_373] : memref<4x32x128xf32, #tpu.memory_space<vmem>> -> memref<1x32x128xf32, #tpu.memory_space<vmem>>
        %parallel_loop3A_375 = tpu.memref_squeeze %parallel_loop3A_374 : memref<1x32x128xf32, #tpu.memory_space<vmem>> -> memref<32x128xf32, #tpu.memory_space<vmem>>
        %parallel_loop3A_376 = arith.index_cast %parallel_loop3A_320 : i32 to index
        %parallel_loop3A_377 = arith.index_cast %parallel_loop3A_371 : i32 to index
        %parallel_loop3A_378 = tpu.vector_load %parallel_loop3A_375[%parallel_loop3A_376, %parallel_loop3A_377] {strides = array<i32>} : memref<32x128xf32, #tpu.memory_space<vmem>>, vector<1x16xf32>,
        %parallel_loop3A_379 = vector.shape_cast %parallel_loop3A_378 : vector<1x16xf32> to vector<16xf32>
        %parallel_loop3A_380 = vector.shape_cast %parallel_loop3A_369 : vector<16xf32> to vector<1x16xf32>
        tpu.vector_store %parallel_loop3A_375[%parallel_loop3A_376, %parallel_loop3A_377], %parallel_loop3A_380 {strides = array<i32>} : memref<32x128xf32, #tpu.memory_space<vmem>>, vector<1x16xf32>,
      } {sc.loop_unroll_factor = 4 : i64, sc.parallel_access}
      %mul3A_274 = arith.constant 32 : i32
      %mul3A_275 = arith.muli %add3A_251, %mul3A_274 : i32
      %add3A_276 = arith.addi %mul3A_2, %mul3A_275 : i32
      %dma_start3A_277 = arith.constant 3 : i32
      %dma_start3A_278 = arith.constant 0 : i32
      %dma_start3A_279 = arith.constant 0 : i32
      %dma_start3A_280 = tpu.memref_slice %arg7[%dma_start3A_277, %dma_start3A_278, %dma_start3A_279] : memref<4x32x128xf32, #tpu.memory_space<vmem>> -> memref<1x32x128xf32, #tpu.memory_space<vmem>>
      %dma_start3A_281 = tpu.memref_squeeze %dma_start3A_280 : memref<1x32x128xf32, #tpu.memory_space<vmem>> -> memref<32x128xf32, #tpu.memory_space<vmem>>
      %dma_start3A_282 = arith.constant 0 : i32
      %dma_start3A_283 = tpu.memref_slice %arg4[%add3A_276, %dma_start3A_282] : memref<204800x128xf32, #tpu.memory_space<hbm>> -> memref<32x128xf32, #tpu.memory_space<hbm>>
      %dma_start3A_284 = arith.constant 0 : i32
      %dma_start3A_285 = tpu.memref_slice %arg4[%add3A_276, %dma_start3A_284] : memref<204800x128xf32, #tpu.memory_space<hbm>> -> memref<32x128xf32, #tpu.memory_space<hbm>>
      %dma_start3A_286 = arith.constant 0 : i32
      %dma_start3A_287 = arith.constant 0 : i32
      %dma_start3A_288 = tpu.memref_slice %arg7[%dma_start3A_277, %dma_start3A_286, %dma_start3A_287] : memref<4x32x128xf32, #tpu.memory_space<vmem>> -> memref<1x32x128xf32, #tpu.memory_space<vmem>>
      %dma_start3A_289 = tpu.memref_squeeze %dma_start3A_288 : memref<1x32x128xf32, #tpu.memory_space<vmem>> -> memref<32x128xf32, #tpu.memory_space<vmem>>
      tpu.enqueue_dma source(%dma_start3A_289 : memref<32x128xf32, #tpu.memory_space<vmem>>) target(%dma_start3A_285 : memref<32x128xf32, #tpu.memory_space<hbm>>) target_semaphore(%arg15 : memref<!tpu.dma_semaphore, #tpu.memory_space<semaphore_mem>>)
      %lt3A_290 = arith.constant 49 : i32
      %lt3A_291 = arith.cmpi slt, %scan3A_110, %lt3A_290 : i32
      %convert_element_type3A_292 = arith.extui %lt3A_291 : i1 to i32
      %cond3A_293 = arith.constant 0 : i32
      %cond3A_294 = arith.cmpi ne, %convert_element_type3A_292, %cond3A_293 : i32
      scf.if %cond3A_294 {
        %add3A_296 = arith.constant 4 : i32
        %add3A_297 = arith.addi %add3A_251, %add3A_296 : i32
        %dma_start3A_298 = arith.constant 3 : i32
        %dma_start3A_299 = arith.constant 0 : i32
        %dma_start3A_300 = arith.constant 0 : i32
        %dma_start3A_301 = tpu.memref_slice %arg6[%dma_start3A_298, %dma_start3A_299, %dma_start3A_300] : memref<4x128x32xf32, #tpu.memory_space<vmem>> -> memref<1x128x32xf32, #tpu.memory_space<vmem>>
        %dma_start3A_302 = tpu.memref_squeeze %dma_start3A_301 : memref<1x128x32xf32, #tpu.memory_space<vmem>> -> memref<128x32xf32, #tpu.memory_space<vmem>>
        %dma_start3A_303 = arith.constant 0 : i32
        %dma_start3A_304 = tpu.memref_slice %arg5[%add3A_297, %dma_start3A_303] : memref<200x128xi32, #tpu.memory_space<vmem>> -> memref<1x128xi32, #tpu.memory_space<vmem>>
        %dma_start3A_305 = tpu.memref_squeeze %dma_start3A_304 : memref<1x128xi32, #tpu.memory_space<vmem>> -> memref<128xi32, #tpu.memory_space<vmem>>
        %dma_start3A_306 = arith.constant 0 : i32
        %dma_start3A_307 = arith.constant 0 : i32
        %dma_start3A_308 = tpu.memref_slice %arg3[%dma_start3A_306, %dma_start3A_307] : memref<1000000x32xf32, #tpu.memory_space<hbm>> -> memref<1000000x32xf32, #tpu.memory_space<hbm>>
        tpu.enqueue_indirect_dma source(%dma_start3A_308 : memref<1000000x32xf32, #tpu.memory_space<hbm>>) target(%dma_start3A_302 : memref<128x32xf32, #tpu.memory_space<vmem>>) offsets(%dma_start3A_305 : memref<128xi32, #tpu.memory_space<vmem>>) semaphore(%arg11 : memref<!tpu.dma_semaphore, #tpu.memory_space<semaphore_mem>>)
      } else {
      }
      %scan3A_295 = arith.constant 0 : i32
      scf.yield %scan3A_295 : i32
    }
    %scan3A_58 = arith.constant 50 : i32
    %dma_wait3A = arith.constant 0 : i32
    %dma_wait3A_59 = arith.constant 0 : i32
    %dma_wait3A_60 = arith.constant 0 : i32
    %dma_wait3A_61 = tpu.memref_slice %arg7[%dma_wait3A, %dma_wait3A_59, %dma_wait3A_60] : memref<4x32x128xf32, #tpu.memory_space<vmem>> -> memref<1x32x128xf32, #tpu.memory_space<vmem>>
    %dma_wait3A_62 = tpu.memref_squeeze %dma_wait3A_61 : memref<1x32x128xf32, #tpu.memory_space<vmem>> -> memref<32x128xf32, #tpu.memory_space<vmem>>
    %dma_wait3A_63 = arith.constant 0 : i32
    %dma_wait3A_64 = tpu.memref_slice %arg4[%mul3A_2, %dma_wait3A_63] : memref<204800x128xf32, #tpu.memory_space<hbm>> -> memref<32x128xf32, #tpu.memory_space<hbm>>
    %dma_wait3A_65 = arith.constant 0 : i32
    %dma_wait3A_66 = tpu.memref_slice %arg4[%mul3A_2, %dma_wait3A_65] : memref<204800x128xf32, #tpu.memory_space<hbm>> -> memref<32x128xf32, #tpu.memory_space<hbm>>
    %dma_wait3A_67 = arith.constant 0 : i32
    %dma_wait3A_68 = arith.constant 0 : i32
    %dma_wait3A_69 = tpu.memref_slice %arg7[%dma_wait3A, %dma_wait3A_67, %dma_wait3A_68] : memref<4x32x128xf32, #tpu.memory_space<vmem>> -> memref<1x32x128xf32, #tpu.memory_space<vmem>>
    %dma_wait3A_70 = tpu.memref_squeeze %dma_wait3A_69 : memref<1x32x128xf32, #tpu.memory_space<vmem>> -> memref<32x128xf32, #tpu.memory_space<vmem>>
    tpu.wait_dma2 semaphore(%arg12 : memref<!tpu.dma_semaphore, #tpu.memory_space<semaphore_mem>>) src(%dma_wait3A_70 : memref<32x128xf32, #tpu.memory_space<vmem>>) dst(%dma_wait3A_66 : memref<32x128xf32, #tpu.memory_space<hbm>>)
    %dma_wait3A_71 = arith.constant 1 : i32
    %dma_wait3A_72 = arith.constant 0 : i32
    %dma_wait3A_73 = arith.constant 0 : i32
    %dma_wait3A_74 = tpu.memref_slice %arg7[%dma_wait3A_71, %dma_wait3A_72, %dma_wait3A_73] : memref<4x32x128xf32, #tpu.memory_space<vmem>> -> memref<1x32x128xf32, #tpu.memory_space<vmem>>
    %dma_wait3A_75 = tpu.memref_squeeze %dma_wait3A_74 : memref<1x32x128xf32, #tpu.memory_space<vmem>> -> memref<32x128xf32, #tpu.memory_space<vmem>>
    %dma_wait3A_76 = arith.constant 0 : i32
    %dma_wait3A_77 = tpu.memref_slice %arg4[%mul3A_2, %dma_wait3A_76] : memref<204800x128xf32, #tpu.memory_space<hbm>> -> memref<32x128xf32, #tpu.memory_space<hbm>>
    %dma_wait3A_78 = arith.constant 0 : i32
    %dma_wait3A_79 = tpu.memref_slice %arg4[%mul3A_2, %dma_wait3A_78] : memref<204800x128xf32, #tpu.memory_space<hbm>> -> memref<32x128xf32, #tpu.memory_space<hbm>>
    %dma_wait3A_80 = arith.constant 0 : i32
    %dma_wait3A_81 = arith.constant 0 : i32
    %dma_wait3A_82 = tpu.memref_slice %arg7[%dma_wait3A_71, %dma_wait3A_80, %dma_wait3A_81] : memref<4x32x128xf32, #tpu.memory_space<vmem>> -> memref<1x32x128xf32, #tpu.memory_space<vmem>>
    %dma_wait3A_83 = tpu.memref_squeeze %dma_wait3A_82 : memref<1x32x128xf32, #tpu.memory_space<vmem>> -> memref<32x128xf32, #tpu.memory_space<vmem>>
    tpu.wait_dma2 semaphore(%arg13 : memref<!tpu.dma_semaphore, #tpu.memory_space<semaphore_mem>>) src(%dma_wait3A_83 : memref<32x128xf32, #tpu.memory_space<vmem>>) dst(%dma_wait3A_79 : memref<32x128xf32, #tpu.memory_space<hbm>>)
    %dma_wait3A_84 = arith.constant 2 : i32
    %dma_wait3A_85 = arith.constant 0 : i32
    %dma_wait3A_86 = arith.constant 0 : i32
    %dma_wait3A_87 = tpu.memref_slice %arg7[%dma_wait3A_84, %dma_wait3A_85, %dma_wait3A_86] : memref<4x32x128xf32, #tpu.memory_space<vmem>> -> memref<1x32x128xf32, #tpu.memory_space<vmem>>
    %dma_wait3A_88 = tpu.memref_squeeze %dma_wait3A_87 : memref<1x32x128xf32, #tpu.memory_space<vmem>> -> memref<32x128xf32, #tpu.memory_space<vmem>>
    %dma_wait3A_89 = arith.constant 0 : i32
    %dma_wait3A_90 = tpu.memref_slice %arg4[%mul3A_2, %dma_wait3A_89] : memref<204800x128xf32, #tpu.memory_space<hbm>> -> memref<32x128xf32, #tpu.memory_space<hbm>>
    %dma_wait3A_91 = arith.constant 0 : i32
    %dma_wait3A_92 = tpu.memref_slice %arg4[%mul3A_2, %dma_wait3A_91] : memref<204800x128xf32, #tpu.memory_space<hbm>> -> memref<32x128xf32, #tpu.memory_space<hbm>>
    %dma_wait3A_93 = arith.constant 0 : i32
    %dma_wait3A_94 = arith.constant 0 : i32
    %dma_wait3A_95 = tpu.memref_slice %arg7[%dma_wait3A_84, %dma_wait3A_93, %dma_wait3A_94] : memref<4x32x128xf32, #tpu.memory_space<vmem>> -> memref<1x32x128xf32, #tpu.memory_space<vmem>>
    %dma_wait3A_96 = tpu.memref_squeeze %dma_wait3A_95 : memref<1x32x128xf32, #tpu.memory_space<vmem>> -> memref<32x128xf32, #tpu.memory_space<vmem>>
    tpu.wait_dma2 semaphore(%arg14 : memref<!tpu.dma_semaphore, #tpu.memory_space<semaphore_mem>>) src(%dma_wait3A_96 : memref<32x128xf32, #tpu.memory_space<vmem>>) dst(%dma_wait3A_92 : memref<32x128xf32, #tpu.memory_space<hbm>>)
    %dma_wait3A_97 = arith.constant 3 : i32
    %dma_wait3A_98 = arith.constant 0 : i32
    %dma_wait3A_99 = arith.constant 0 : i32
    %dma_wait3A_100 = tpu.memref_slice %arg7[%dma_wait3A_97, %dma_wait3A_98, %dma_wait3A_99] : memref<4x32x128xf32, #tpu.memory_space<vmem>> -> memref<1x32x128xf32, #tpu.memory_space<vmem>>
    %dma_wait3A_101 = tpu.memref_squeeze %dma_wait3A_100 : memref<1x32x128xf32, #tpu.memory_space<vmem>> -> memref<32x128xf32, #tpu.memory_space<vmem>>
    %dma_wait3A_102 = arith.constant 0 : i32
    %dma_wait3A_103 = tpu.memref_slice %arg4[%mul3A_2, %dma_wait3A_102] : memref<204800x128xf32, #tpu.memory_space<hbm>> -> memref<32x128xf32, #tpu.memory_space<hbm>>
    %dma_wait3A_104 = arith.constant 0 : i32
    %dma_wait3A_105 = tpu.memref_slice %arg4[%mul3A_2, %dma_wait3A_104] : memref<204800x128xf32, #tpu.memory_space<hbm>> -> memref<32x128xf32, #tpu.memory_space<hbm>>
    %dma_wait3A_106 = arith.constant 0 : i32
    %dma_wait3A_107 = arith.constant 0 : i32
    %dma_wait3A_108 = tpu.memref_slice %arg7[%dma_wait3A_97, %dma_wait3A_106, %dma_wait3A_107] : memref<4x32x128xf32, #tpu.memory_space<vmem>> -> memref<1x32x128xf32, #tpu.memory_space<vmem>>
    %dma_wait3A_109 = tpu.memref_squeeze %dma_wait3A_108 : memref<1x32x128xf32, #tpu.memory_space<vmem>> -> memref<32x128xf32, #tpu.memory_space<vmem>>
    tpu.wait_dma2 semaphore(%arg15 : memref<!tpu.dma_semaphore, #tpu.memory_space<semaphore_mem>>) src(%dma_wait3A_109 : memref<32x128xf32, #tpu.memory_space<vmem>>) dst(%dma_wait3A_105 : memref<32x128xf32, #tpu.memory_space<hbm>>)
    return
  }
}

</mosaic_0001>

<sc_bundles>
// kernel: kernel.3.cloned.1.call-start
scs
__scs_entry_jumppad:
0x0: {  	(pc) =	sbr.rel $0x88, $3  }
0x1: {  	(tag) =	ssettag $0x0;
	lr =	simm.s32 $0x1  }
0x2: {  	[smem:$0x3F9F] =	sst lr;
	_ =	strace $0xD0000000  }
0x3: {  	_ = 	snop  }
0x4: {  	_ = 	snop  }
0x5: {  	_ = 	snop  }
0x6: {  	_ = 	snop  }
0x7: {  	_ = 	snop  }
__scs_overlays_trampoline_lowered:
0x8: {  	[smem:$0x3FAE] =	sst s0  }
0x9: {  	[smem:$0x3FAF] =	sst s1  }
0xa: {  	[smem:$0x3FB0] =	sst s2  }
0xb: {  	[smem:$0x3FB1] =	sst s3  }
0xc: {  	[smem:$0x3FB2] =	sst s4  }
0xd: {  	[smem:$0x3FB3] =	sst s5  }
0xe: {  	[smem:$0x3FB4] =	sst s6  }
0xf: {  	[smem:$0x3FB5] =	sst s7  }
0x10: {  	[smem:$0x3FB6] =	sst s8  }
0x11: {  	[smem:$0x3FB7] =	sst s9;
	s0 =	simm.s32 @!p0 $0x0  }
0x12: {  	s1 =	sld [smem:$0x3F9D];
	s0 =	simm.s32 @p0 $0x1  }
0x13: {  	[smem:$0x3FB8] =	sst s0;
	s0 =	simm.s32 @!p1 $0x0  }
0x14: {  	s2 =	sld [smem:$0x3F9C];
	s0 =	simm.s32 @p1 $0x1  }
0x15: {  	[smem:$0x3FB9] =	sst s0;
	s0 =	simm.s32 @!p2 $0x0  }
0x16: {  	s3 =	sld [smem:$0x3FDB];
	s0 =	simm.s32 @p2 $0x1  }
0x17: {  	s4 =	simm.s32 $0x1BF5;
	[smem:$0x3FBB] =	sst s0  }
0x18: {  	s0 =	sld [smem:$0x3F9E];
	_ =	swait.ge [sflag:s4], $0x0  }
0x19: {  	s7 =	sld [smem:$0x3F9F]  }
0x1a: {  	s8 =	sadd.s32 $0xFFFFE003, lr  }
0x1b: {  	s9 =	sadd.s32 $0xFFFFFEF7, lr;
	s5 =	simm.s32 $0xFFFFFFFF;
	p2 =	slt.u32 s8, $0xFFFFF086  }
0x1c: {  	p1 =	slt.u32 s9, $0xF7A;
	s5 =	simm.s32 @!p2 $0x0  }
0x1d: {  	s5 =	simm.s32 @p1 $0x1;
	p0 =	seq.s32 s7, s2  }
0x1e: {  	s7 =	smul.u32 @!p0 $0xF7A, s2;
	p2 =	seq.s32 @!p0 s5, $0x0  }
0x1f: {  	s9 =	smul.u32 $0xF7A, s1;
	s8 =	simm.s32 @!p0 $0x1BF5;
	p2 =	por !p2, p0  }
0x20: {  	[sflag:s8] =	ssyncset.s32 @!p0 $0xFFFFF086;
	s6 =	sadd.s32 @!p0 s3, s7;
	s7 =	simm.s32 @!p0 $0x108  }
0x21: {  	s3 =	sadd.s32 s3, s9;
	s6 =	sadd.s32 @!p0 $0x88, s6;
	s7 =	simm.s32 @p2 $0x1082  }
0x22: {  	[simem:s7], [sflag:s8] =	dma.local @!p0 [hbm:s6], $0xF7A  }
0x23: {  	s9 =	sor.u32 $0xD0000000, s2;
	s6 =	simm.s32 $0x108;
	_ =	swait.ge @!p0 [sflag:s8], $0x0  }
0x24: {  	s3 =	sadd.s32 $0x88, s3;
	s6 =	simm.s32 @!p1 $0x1082;
	[sflag:s4] =	ssyncset.s32 $0xFFFFF086  }
0x25: {  	[simem:s6], [sflag:s4] =	dma.local [hbm:s3], $0xF7A  }
0x26: {  	[smem:$0x3F9F] =	sst s1;
	(tag) =	ssettag s2;
	_ =	strace s9  }
0x27: {  	s1 =	sld [smem:$0x3FAF]  }
0x28: {  	s2 =	sld [smem:$0x3FB0]  }
0x29: {  	s4 =	sld [smem:$0x3FB2]  }
0x2a: {  	p0 =	seq.s32 s5, $0x0;
	s5 =	sld [smem:$0x3FB3]  }
0x2b: {  	s6 =	sld [smem:$0x3FB4]  }
0x2c: {  	s7 =	sld [smem:$0x3FB5]  }
0x2d: {  	s3 =	simm.s32 $0x108;
	s8 =	sld [smem:$0x3FB6]  }
0x2e: {  	s3 =	simm.s32 @!p0 $0x1082;
	s9 =	sld [smem:$0x3FB7]  }
0x2f: {  	lr =	sadd.s32 s0, s3;
	s0 =	sld [smem:$0x3FAE]  }
0x30: {  	s3 =	sld [smem:$0x3FB1]  }
0x31: {  	[smem:$0x3FBA] =	sst s10  }
0x32: {  	s10 =	sld [smem:$0x3FB8];
	_ =	sdelay $0x3  }
0x33: {  	p0 =	seq.s32 s10, $0x1;
	s10 =	sld [smem:$0x3FBA];
	_ =	sdelay $0x3  }
0x34: {  	[smem:$0x3FBA] =	sst s10  }
0x35: {  	s10 =	sld [smem:$0x3FB9];
	_ =	sdelay $0x3  }
0x36: {  	p1 =	seq.s32 s10, $0x1;
	s10 =	sld [smem:$0x3FBA];
	_ =	sdelay $0x3  }
0x37: {  	[smem:$0x3FBA] =	sst s10  }
0x38: {  	s10 =	sld [smem:$0x3FBB]  }
0x39: {  	_ = 	snop;
	(pc) =	sbr.ind lr, $3  }
0x3a: {  	_ = 	snop  }
0x3b: {  	_ = 	snop  }
0x3c: {  	p2 =	seq.s32 s10, $0x1;
	s10 =	sld [smem:$0x3FBA]  }
0x3d: {  	_ =	shalt  }
0x3e: {  	_ =	shalt  }
0x3f: {  	_ =	shalt  }
0x40: {  	_ =	shalt  }
0x41: {  	_ =	shalt  }
0x42: {  	_ =	shalt  }
0x43: {  	_ =	shalt  }
0x44: {  	_ =	shalt  }
0x45: {  	_ =	shalt  }
0x46: {  	_ =	shalt  }
0x47: {  	_ =	shalt  }
0x48: {  	_ =	shalt  }
0x49: {  	_ =	shalt  }
0x4a: {  	_ =	shalt  }
0x4b: {  	_ =	shalt  }
0x4c: {  	_ =	shalt  }
0x4d: {  	_ =	shalt  }
0x4e: {  	_ =	shalt  }
0x4f: {  	_ =	shalt  }
0x50: {  	_ =	shalt  }
0x51: {  	_ =	shalt  }
0x52: {  	_ =	shalt  }
0x53: {  	_ =	shalt  }
0x54: {  	_ =	shalt  }
0x55: {  	_ =	shalt  }
0x56: {  	_ =	shalt  }
0x57: {  	_ =	shalt  }
0x58: {  	_ =	shalt  }
0x59: {  	_ =	shalt  }
0x5a: {  	_ =	shalt  }
0x5b: {  	_ =	shalt  }
0x5c: {  	_ =	shalt  }
0x5d: {  	_ =	shalt  }
0x5e: {  	_ =	shalt  }
0x5f: {  	_ =	shalt  }
0x60: {  	_ =	shalt  }
0x61: {  	_ =	shalt  }
0x62: {  	_ =	shalt  }
0x63: {  	_ =	shalt  }
0x64: {  	_ =	shalt  }
0x65: {  	_ =	shalt  }
0x66: {  	_ =	shalt  }
0x67: {  	_ =	shalt  }
0x68: {  	_ =	shalt  }
0x69: {  	_ =	shalt  }
0x6a: {  	_ =	shalt  }
0x6b: {  	_ =	shalt  }
0x6c: {  	_ =	shalt  }
0x6d: {  	_ =	shalt  }
0x6e: {  	_ =	shalt  }
0x6f: {  	_ =	shalt  }
0x70: {  	_ =	shalt  }
0x71: {  	_ =	shalt  }
0x72: {  	_ =	shalt  }
0x73: {  	_ =	shalt  }
0x74: {  	_ =	shalt  }
0x75: {  	_ =	shalt  }
0x76: {  	_ =	shalt  }
0x77: {  	_ =	shalt  }
0x78: {  	_ =	shalt  }
0x79: {  	_ =	shalt  }
0x7a: {  	_ =	shalt  }
0x7b: {  	_ =	shalt  }
0x7c: {  	_ =	shalt  }
0x7d: {  	_ =	shalt  }
0x7e: {  	_ =	shalt  }
0x7f: {  	_ =	shalt  }
0x80: {  	_ =	shalt  }
0x81: {  	_ =	shalt  }
0x82: {  	_ =	shalt  }
0x83: {  	_ =	shalt  }
0x84: {  	_ =	shalt  }
0x85: {  	_ =	shalt  }
0x86: {  	_ =	shalt  }
0x87: {  	_ =	shalt  }
.Lfunc_end0:
.L_simem_size_0:
called_computation.1_lowered:
.L_overlay_start_0:
0x88: {  	s2 =	sld [smem:$0x3FD9]  }
0x89: {  	s3 =	sld [smem:$0x3FFE];
	_ =	sdelay $0x1  }
0x8a: {  	s1 =	srdreg.scid  }
0x8b: {  	s0 =	sand.u32 $0x1, s1  }
0x8c: {  	s17 =	sshll.u32 s0, $0xA;
	s2 =	sadd.s32 s3, s2  }
0x8d: {  	s2 =	sadd.s32 s2, s17  }
0x8e: {  	[smem:$0x3FC6] =	sst s2  }
0x8f: {  	_ = 	snop  }
0x90: {  	s2 =	sld [smem:$0x3FD0];
	(tm) =	ssettm $0x1  }
0x91: {  	s18 =	sld [smem:$0x3FFB];
	_ =	sdelay $0x3  }
0x92: {  	_ =	strace s18  }
0x93: {  	s3 =	sld [smem:$0x3FFC];
	_ =	sdelay $0x3  }
0x94: {  	_ =	strace s3  }
0x95: {  	s3 =	sld [smem:$0x3FFD];
	_ =	sdelay $0x3  }
0x96: {  	_ =	strace s3  }
0x97: {  	_ =	strace $0x8FFFFFFF  }
0x98: {  	s19 =	sld [smem:$0x3FDB];
	_ =	sdelay $0x1  }
0x99: {  	s4 =	simm.s32 $_scs_section_size  }
0x9a: {  	s5 =	simm.s32 $_size__tile_overlayer_lowered;
	s6 =	simm.s32 $_tile_overlayer_lowered  }
0x9b: {  	s22 =	simm.s32 $0x1BFF;
	s21 =	sshll.u32 s6, $0x1;
	s3 =	sadd.s32 s4, s19  }
0x9c: {  	s7 =	simm.s32 $0x0;
	s20 =	sshll.u32 s5, $0x1;
	s5 =	sadd.s32 s21, s3  }
0x9d: {  	[timem:s7], [sflag:s22] =	dma.local [hbm:s5], s20  }
0x9e: {  	_ =	swait.ge [sflag:s22], s20  }
0x9f: {  	s4 =	ssub.s32 $0x0, s20;
	[sflag:s22] =	ssyncset.done $0x0  }
0xa0: {  	[sflag:s22] =	ssyncadd.s32 s4;
	_ =	sdelay $0x1  }
0xa1: {  	s23 =	simm.s32 $0x1B8B  }
0xa2: {  	_ =	swait.ge [sflag:s23], $0x1  }
0xa3: {  	[sflag:s23] =	ssyncset.done $0x0  }
0xa4: {  	s25 =	simm.s32 $0x1B8E;
	s24 =	sld [smem:$0x3FFE];
	[sflag:s23] =	ssyncadd.s32 $0xFFFFFFFF  }
0xa5: {  	s26 =	simm.s32 $execute0_lowered;
	[smem:$0x3FD2] =	sst s25  }
0xa6: {  	s5 =	sshll.u32 s26, $0x1;
	_ =	strace $0x80000046;
	[dreg:$0x1] =	wrdreg $0xFFFFFFFF  }
0xa7: {  	s28 =	simm.s32 $_size_execute0_lowered;
	s3 =	sadd.s32 s3, s5;
	[dreg:$0x0] =	wrdreg $0x0  }
0xa8: {  	s5 =	sshll.u32 s28, $0x1;
	[dreg:$0x2] =	wrdreg s3  }
0xa9: {  	[dreg:$0x3] =	wrdreg s5  }
0xaa: {  	[dreg:$0x4] =	wrdreg $0xC0  }
0xab: {  	_ =	task [dreg:s7], $0x5FFFF  }
0xac: {  	[dreg:$0x1] =	wrdreg $0xFFFFFFFF  }
0xad: {  	[dreg:$0x0] =	wrdreg $0x60  }
0xae: {  	[dreg:$0x2] =	wrdreg s24  }
0xaf: {  	[dreg:$0x3] =	wrdreg s2  }
0xb0: {  	[dreg:$0x4] =	wrdreg $0x9  }
0xb1: {  	_ =	task.clear_ibuf [dreg:s7], $0x5FFFF;
	_ =	strace $0x90000046  }
0xb2: {  	s29 =	simm.s32 $0x9;
	_ =	strace $0x80000048  }
0xb3: {  	_ =	swait.ge [sflag:s29], $0x1  }
0xb4: {  	[sflag:s29] =	ssyncadd.s32 $0xFFFFFFFF  }
0xb5: {  	_ =	strace $0x90000048  }
0xb6: {  	_ =	sfence  }
0xb7: {  	s30 =	sld [smem:$0x0];
	_ =	sdelay $0x2  }
0xb8: {  	s31 =	sshll.u32 s1, $0xD;
	s1 =	sshrl.u32 s1, $0x2  }
0xb9: {  	s3 =	sand.u32 $0x4000, s31;
	s1 =	sadd.s32 s1, s30  }
0xba: {  	s0 =	sor.u32 s3, s0;
	s1 =	sshll.u32 s1, $0x11  }
0xbb: {  	s0 =	sor.u32 s1, s0  }
0xbc: {  	s0 =	sadd.s32 $0x8F2B, s0  }
0xbd: {  	[sflag:s0] =	ssyncadd.remote.s32 $0x1  }
0xbe: {  	_ =	sfence.sel $0xFFFF  }
0xbf: {  	[dreg:$0x0] =	wrdreg $0xFFFFFFFF;
	(pc) =	sbr.abs _section_cstart, $3  }
0xc0: {  	[dreg:$0x1] =	wrdreg $0xFFFFFFFF  }
0xc1: {  	_ =	task.clear_ibuf [dreg:s7], $0x2FFFF;
	_ =	strace $0x9FFFFFFF  }
0xc2: {  	(tm) =	ssettm $0x7FFFFFFF  }
0xc3: {  	_ =	shalt  }
tec
execute0_lowered:
.L_overlay_start_1:
0x0: {  	(tag) =	ssettag $0x1  }
0x1: {  	s0 =	rddreg [dreg:$0x0];
	s1 =	srdreg.scid  }
0x2: {  	s3 =	stileid.u32;
	s2 =	rddreg [dreg:$0x1]  }
0x3: {  	s12 =	simm.s32 $0x80;
	s13 =	simm.s32 $0x6400;
	s14 =	simm.s32 $0x7400  }
0x4: {  	s16 =	simm.s32 $0x8400;
	s18 =	simm.s32 $0x9400;
	s19 =	simm.s32 $0x1  }
0x5: {  	s20 =	simm.s32 $0xA400;
	s21 =	simm.s32 $0x2;
	s22 =	simm.s32 $0x6  }
0x6: {  	s23 =	simm.s32 $0xB400;
	s24 =	simm.s32 $0x3;
	s25 =	simm.s32 $0x7  }
0x7: {  	s28 =	simm.s32 $0x4;
	s1 =	sand.u32 $0x1, s1;
	s4 =	sshll.u32 s3, $0x1  }
0x8: {  	s29 =	simm.s32 $0x8;
	s30 =	simm.s32 $0xD400;
	s5 =	sor.u32 s1, s4  }
0x9: {  	s3 =	simm.s32 $0x0;
	s1 =	ssub.s32 $0x2, s1;
	s4 =	smul.u32 $0xC80, s5  }
0xa: {  	[smem:$0x7FF] =	sst s3;
	s6 =	sshrl.u32 s1, $0x1;
	s9 =	smul.u32 $0x1900, s5  }
.Ltmp0:
0xb: {  	_ =	strace $0x80000047;
	s26 =	ssub.s32 s1, s6;
	(pc) =	sbr.rel .LBB2_1-.Ltmp0, $4  }
0xc: {  	s6 =	smul.u32 $0xC8000, s5;
	s1 =	simm.s32 $0x0;
	s7 =	sadd.s32 s4, s0  }
0xd: {  	s4 =	sadd.s32 $0xF42E00, s0;
	s8 =	sor.u32 $0x40, s9;
	s0 =	smax.u32 s26, $0x1  }
0xe: {  	s26 =	simm.s32 $0xC400;
	s31 =	sadd.s32 $0xA00, s7;
	[dreg:$0x4] =	wrdreg s0  }
0xf: {  	s7 =	sor.u32 $0x20, s9;
	s9 =	sor.u32 $0x60, s9;
	[dreg:$0x3] =	wrdreg s31  }
.LBB2_24:
0x10: {  	s0 =	simm.s32 $0x5  }
0x11: {  	_ =	swait.ge [sflag:s0], $0x1000  }
0x12: {  	[sflag:s0] =	ssyncset.done $0x0  }
0x13: {  	[sflag:s0] =	ssyncadd.s32 $0xFFFFF000  }
0x14: {  	_ =	swait.ge [sflag:s22], $0x1000  }
0x15: {  	[sflag:s22] =	ssyncset.done $0x0  }
0x16: {  	[sflag:s22] =	ssyncadd.s32 $0xFFFFF000  }
0x17: {  	_ =	swait.ge [sflag:s25], $0x1000  }
0x18: {  	[sflag:s25] =	ssyncset.done $0x0  }
0x19: {  	[sflag:s25] =	ssyncadd.s32 $0xFFFFF000  }
0x1a: {  	_ =	swait.ge [sflag:s29], $0x1000  }
0x1b: {  	s1 =	rddreg [dreg:$0x5]  }
0x1c: {  	s31 =	rddreg [dreg:$0x4];
	s1 =	sadd.s32 $0x1, s1  }
0x1d: {  	p0 =	sne.s32 s1, s31  }
.Ltmp1:
0x1e: {  	_ = 	snop;
	(pc) =	sbr.rel @!p0 .LBB2_25-.Ltmp1, $3  }
0x1f: {  	_ =	sdelay $0x1  }
0x20: {  	[sflag:s29] =	ssyncset.done $0x0  }
0x21: {  	[sflag:s29] =	ssyncadd.s32 $0xFFFFF000  }
.LBB2_1:
0x22: {  	[dreg:$0x5] =	wrdreg s1  }
0x23: {  	s0 =	rddreg [dreg:$0x3];
	s15 =	simm.s32 $0x9  }
0x24: {  	[tilespmem:s3], [sflag:$0x9] =	stream.linear.gather [hbm4b:s0+s3], $0x6400, $0x38;
	[tilespmem:$0xE400] =	vst v63  }
0x25: {  	_ =	swait.ge [sflag:s15], $0x6400  }
0x26: {  	[sflag:s15] =	ssyncset.done $0x0  }
0x27: {  	[sflag:s15] =	ssyncadd.s32 $0xFFFF9C00  }
0x28: {  	[tilespmem:s13], [sflag:$0x1] =	stream.indirect.gather [hbm4b:s4+s12], $0x20, s3, s12, $0xb8;
	[tilespmem:$0xE400] =	vst v63  }
0x29: {  	_ = 	snop  }
0x2a: {  	[tilespmem:s14], [sflag:$0x2] =	stream.indirect.gather [hbm4b:s4+s12], $0x20, s12, s12, $0xb8;
	[tilespmem:$0xE400] =	vst v63  }
0x2b: {  	s17 =	simm.s32 $0x100  }
0x2c: {  	[tilespmem:s16], [sflag:$0x3] =	stream.indirect.gather [hbm4b:s4+s12], $0x20, s17, s12, $0xb8;
	[tilespmem:$0xE400] =	vst v63  }
0x2d: {  	s31 =	simm.s32 $0x180;
	s0 =	simm.s32 $0x0  }
0x2e: {  	[tilespmem:s18], [sflag:$0x4] =	stream.indirect.gather [hbm4b:s4+s12], $0x20, s31, s12, $0xb8;
	[tilespmem:$0xE400] =	vst v63  }
.LBB2_2:
0x2f: {  	_ =	swait.ge [sflag:s19], $0x1000  }
0x30: {  	p0 =	seq.s32 s0, $0x0;
	[sflag:s19] =	ssyncset.done $0x0  }
0x31: {  	s5 =	simm.s32 @!p0 $0x5;
	[sflag:s19] =	ssyncadd.s32 $0xFFFFF000  }
0x32: {  	_ =	swait.ge @!p0 [sflag:s5], $0x1000  }
0x33: {  	[sflag:s5] =	ssyncset.done @!p0 $0x0  }
0x34: {  	s31 =	simm.s32 $0x6440;
	[sflag:s5] =	ssyncadd.s32 @!p0 $0xFFFFF000  }
0x35: {  	v0 =	vld [tilespmem:s31+$0x20];
	_ =	sdelay $0x3  }
0x36: {  	v1 =	vld [tilespmem:s31+$0xFFFFFFC0]  }
0x37: {  	v2 =	vld [tilespmem:s31+$0xFFFFFFE0];
	v0 =	vmul.f32 $5.656854150e+00, v0  }
0x38: {  	s15 =	simm.s32 $0xA440;
	s17 =	simm.s32 $0x64C0;
	v3 =	vld [tilespmem:s31+$0x0]  }
0x39: {  	[tilespmem:s15+$0x20] =	vst v0;
	v0 =	vld [tilespmem:s17+$0x20]  }
0x3a: {  	v4 =	vld [tilespmem:s31+$0x30]  }
0x3b: {  	v6 =	vld [tilespmem:s17+$0xFFFFFFE0];
	v1 =	vmul.f32 $5.656854150e+00, v1  }
0x3c: {  	v5 =	vmul.f32 $5.656854150e+00, v2;
	v2 =	vld [tilespmem:s17+$0x0]  }
0x3d: {  	v7 =	vmul.f32 $5.656854150e+00, v3;
	v3 =	vld [tilespmem:s17+$0xFFFFFFC0];
	[tilespmem:s15+$0xFFFFFFC0] =	vst v1  }
0x3e: {  	[tilespmem:s15+$0xFFFFFFE0] =	vst v5;
	v1 =	vld [tilespmem:s31+$0xFFFFFFD0];
	v8 =	vmul.f32 $5.656854150e+00, v0  }
0x3f: {  	s5 =	simm.s32 $0xA4C0;
	[tilespmem:s15+$0x0] =	vst v7;
	v0 =	vld [tilespmem:s31+$0xFFFFFFF0];
	v5 =	vmul.f32 $5.656854150e+00, v4  }
0x40: {  	s10 =	simm.s32 $0x4;
	s11 =	simm.s32 $0x6540;
	v6 =	vmul.f32 $5.656854150e+00, v6;
	v4 =	vld [tilespmem:s31+$0x10];
	[tilespmem:s5+$0x20] =	vst v8  }
.LBB2_3:
0x41: {  	v7 =	vld [tilespmem:s11+$0x20];
	v2 =	vmul.f32 $5.656854150e+00, v2;
	[tilespmem:s15+$0x30] =	vst v5  }
0x42: {  	s10 =	sadd.s32 $0x4, s10;
	v3 =	vmul.f32 $5.656854150e+00, v3;
	[tilespmem:s5+$0xFFFFFFE0] =	vst v6;
	v5 =	vld [tilespmem:s17+$0x30]  }
0x43: {  	p1 =	slt.u32 s10, $0x7C;
	v6 =	vld [tilespmem:s11+$0xFFFFFFE0];
	[tilespmem:s5+$0x0] =	vst v2;
	v1 =	vmul.f32 $5.656854150e+00, v1  }
.Ltmp2:
0x44: {  	v2 =	vld [tilespmem:s11+$0x0];
	[tilespmem:s5+$0xFFFFFFC0] =	vst v3;
	v0 =	vmul.f32 $5.656854150e+00, v0;
	(pc) =	sbr.rel @p1 .LBB2_3-.Ltmp2, $4  }
0x45: {  	v3 =	vld [tilespmem:s11+$0xFFFFFFC0];
	[tilespmem:s15+$0xFFFFFFD0] =	vst v1;
	v4 =	vmul.f32 $5.656854150e+00, v4  }
0x46: {  	v7 =	vmul.f32 $5.656854150e+00, v7;
	v1 =	vld [tilespmem:s17+$0xFFFFFFD0];
	[tilespmem:s15+$0xFFFFFFF0] =	vst v0  }
0x47: {  	v0 =	vld [tilespmem:s17+$0xFFFFFFF0];
	v5 =	vmul.f32 $5.656854150e+00, v5;
	[tilespmem:s15+$0x10] =	vst v4;
	s15 =	smov.u32 s5;
	s5 =	sadd.s32 $0x80, s5  }
0x48: {  	v6 =	vmul.f32 $5.656854150e+00, v6;
	[tilespmem:s5+$0x20] =	vst v7;
	v4 =	vld [tilespmem:s17+$0x10];
	s17 =	smov.u32 s11;
	s11 =	sadd.s32 $0x80, s11  }
0x49: {  	v2 =	vmul.f32 $5.656854150e+00, v2  }
0x4a: {  	v55 =	vld [tilespmem:s17+$0x30];
	v3 =	vmul.f32 $5.656854150e+00, v3;
	[tilespmem:s5+$0xFFFFFFE0] =	vst v6  }
0x4b: {  	[tilespmem:s5+$0x0] =	vst v2;
	v57 =	vld [tilespmem:s17+$0xFFFFFFF0]  }
0x4c: {  	v1 =	vmul.f32 $5.656854150e+00, v1;
	[tilespmem:s5+$0xFFFFFFC0] =	vst v3;
	v58 =	vld [tilespmem:s17+$0x10]  }
0x4d: {  	[tilespmem:s15+$0x30] =	vst v5;
	v0 =	vmul.f32 $5.656854150e+00, v0;
	v56 =	vld [tilespmem:s17+$0xFFFFFFD0]  }
0x4e: {  	[tilespmem:s15+$0xFFFFFFD0] =	vst v1;
	v59 =	vmul.f32 $5.656854150e+00, v4  }
0x4f: {  	[tilespmem:s15+$0xFFFFFFF0] =	vst v0;
	v60 =	vmul.f32 $5.656854150e+00, v55  }
0x50: {  	p1 =	sne.s32 s0, $0x31;
	[tilespmem:s15+$0x10] =	vst v59;
	v62 =	vmul.f32 $5.656854150e+00, v57  }
.Ltmp3:
0x51: {  	s10 =	sshll.u32 s0, $0xE;
	[tilespmem:s5+$0x30] =	vst v60;
	v63 =	vmul.f32 $5.656854150e+00, v58;
	(pc) =	sbr.rel @p1 .LBB2_6-.Ltmp3, $4  }
0x52: {  	s10 =	sadd.s32 s6, s10;
	v61 =	vmul.f32 $5.656854150e+00, v56;
	[tilespmem:s5+$0xFFFFFFF0] =	vst v62  }
0x53: {  	s10 =	sshrl.u32 s10, $0x3;
	[tilespmem:s5+$0x10] =	vst v63  }
0x54: {  	s31 =	sadd.s32 s2, s10;
	[tilespmem:s5+$0xFFFFFFD0] =	vst v61  }
0x55: {  	[hbm4b:s31+s3] =	stream.linear.scatter [tilespmem:s20], [sflag:$0x5], $0x1000, $0x38;
	[tilespmem:$0xE400] =	vst v63  }
.Ltmp4:
0x56: {  	(pc) =	sbr.rel .LBB2_7-.Ltmp4, $4  }
0x57: {  	_ = 	snop  }
0x58: {  	_ =	swait.ge [sflag:s21], $0x1000  }
0x59: {  	[sflag:s21] =	ssyncset.done $0x0  }
0x5a: {  	[sflag:s21] =	ssyncadd.s32 $0xFFFFF000  }
.LBB2_6:
0x5b: {  	s5 =	sshll.u32 s0, $0x9  }
0x5c: {  	s5 =	sand.u32 $0x3FFFFE00, s5  }
.Ltmp5:
0x5d: {  	s5 =	sadd.s32 $0x200, s5;
	(pc) =	sbr.rel @p0 .LBB2_8-.Ltmp5, $4  }
0x5e: {  	[tilespmem:s13], [sflag:$0x1] =	stream.indirect.gather [hbm4b:s4+s12], $0x20, s5, s12, $0xb8;
	[tilespmem:$0xE400] =	vst v63  }
0x5f: {  	_ =	swait.ge [sflag:s21], $0x1000  }
0x60: {  	[sflag:s21] =	ssyncset.done $0x0  }
0x61: {  	[sflag:s21] =	ssyncadd.s32 $0xFFFFF000  }
.LBB2_7:
0x62: {  	_ =	swait.ge [sflag:s22], $0x1000  }
0x63: {  	[sflag:s22] =	ssyncset.done $0x0  }
0x64: {  	[sflag:s22] =	ssyncadd.s32 $0xFFFFF000  }
.LBB2_8:
0x65: {  	s31 =	simm.s32 $0x7470  }
0x66: {  	v0 =	vld [tilespmem:s31+$0xFFFFFFF0];
	_ =	sdelay $0x3  }
0x67: {  	v1 =	vld [tilespmem:s31+$0xFFFFFF90]  }
0x68: {  	v2 =	vld [tilespmem:s31+$0xFFFFFFB0];
	v0 =	vmul.f32 $5.656854150e+00, v0  }
0x69: {  	s15 =	simm.s32 $0xB470;
	s5 =	simm.s32 $0x74F0;
	v3 =	vld [tilespmem:s31+$0xFFFFFFD0]  }
0x6a: {  	[tilespmem:s15+$0xFFFFFFF0] =	vst v0;
	v0 =	vld [tilespmem:s5+$0xFFFFFFF0]  }
0x6b: {  	v4 =	vld [tilespmem:s31+$0x0]  }
0x6c: {  	v6 =	vld [tilespmem:s5+$0xFFFFFFB0];
	v1 =	vmul.f32 $5.656854150e+00, v1  }
0x6d: {  	v5 =	vmul.f32 $5.656854150e+00, v2;
	v2 =	vld [tilespmem:s5+$0xFFFFFFD0]  }
0x6e: {  	v7 =	vmul.f32 $5.656854150e+00, v3;
	v3 =	vld [tilespmem:s5+$0xFFFFFF90];
	[tilespmem:s15+$0xFFFFFF90] =	vst v1  }
0x6f: {  	[tilespmem:s15+$0xFFFFFFB0] =	vst v5;
	v1 =	vld [tilespmem:s31+$0xFFFFFFA0];
	v8 =	vmul.f32 $5.656854150e+00, v0  }
0x70: {  	s17 =	simm.s32 $0xB4F0;
	[tilespmem:s15+$0xFFFFFFD0] =	vst v7;
	v0 =	vld [tilespmem:s31+$0xFFFFFFC0];
	v5 =	vmul.f32 $5.656854150e+00, v4  }
0x71: {  	s10 =	simm.s32 $0x4;
	s11 =	simm.s32 $0x7570;
	v6 =	vmul.f32 $5.656854150e+00, v6;
	v4 =	vld [tilespmem:s31+$0xFFFFFFE0];
	[tilespmem:s17+$0xFFFFFFF0] =	vst v8  }
.LBB2_9:
0x72: {  	v7 =	vld [tilespmem:s11+$0xFFFFFFF0];
	v2 =	vmul.f32 $5.656854150e+00, v2;
	[tilespmem:s15+$0x0] =	vst v5  }
0x73: {  	s10 =	sadd.s32 $0x4, s10;
	v3 =	vmul.f32 $5.656854150e+00, v3;
	[tilespmem:s17+$0xFFFFFFB0] =	vst v6;
	v5 =	vld [tilespmem:s5+$0x0]  }
0x74: {  	p2 =	slt.u32 s10, $0x7C;
	v6 =	vld [tilespmem:s11+$0xFFFFFFB0];
	[tilespmem:s17+$0xFFFFFFD0] =	vst v2;
	v1 =	vmul.f32 $5.656854150e+00, v1  }
.Ltmp6:
0x75: {  	v2 =	vld [tilespmem:s11+$0xFFFFFFD0];
	[tilespmem:s17+$0xFFFFFF90] =	vst v3;
	v0 =	vmul.f32 $5.656854150e+00, v0;
	(pc) =	sbr.rel @p2 .LBB2_9-.Ltmp6, $4  }
0x76: {  	v3 =	vld [tilespmem:s11+$0xFFFFFF90];
	[tilespmem:s15+$0xFFFFFFA0] =	vst v1;
	v4 =	vmul.f32 $5.656854150e+00, v4  }
0x77: {  	v7 =	vmul.f32 $5.656854150e+00, v7;
	v1 =	vld [tilespmem:s5+$0xFFFFFFA0];
	[tilespmem:s15+$0xFFFFFFC0] =	vst v0  }
0x78: {  	v0 =	vld [tilespmem:s5+$0xFFFFFFC0];
	v5 =	vmul.f32 $5.656854150e+00, v5;
	[tilespmem:s15+$0xFFFFFFE0] =	vst v4;
	s15 =	smov.u32 s17;
	s17 =	sadd.s32 $0x80, s17  }
0x79: {  	v6 =	vmul.f32 $5.656854150e+00, v6;
	[tilespmem:s17+$0xFFFFFFF0] =	vst v7;
	v4 =	vld [tilespmem:s5+$0xFFFFFFE0];
	s5 =	smov.u32 s11;
	s11 =	sadd.s32 $0x80, s11  }
0x7a: {  	v2 =	vmul.f32 $5.656854150e+00, v2  }
0x7b: {  	v55 =	vld [tilespmem:s5+$0x0];
	v3 =	vmul.f32 $5.656854150e+00, v3;
	[tilespmem:s17+$0xFFFFFFB0] =	vst v6  }
0x7c: {  	[tilespmem:s17+$0xFFFFFFD0] =	vst v2;
	v57 =	vld [tilespmem:s5+$0xFFFFFFC0]  }
0x7d: {  	v1 =	vmul.f32 $5.656854150e+00, v1;
	[tilespmem:s17+$0xFFFFFF90] =	vst v3;
	v58 =	vld [tilespmem:s5+$0xFFFFFFE0]  }
0x7e: {  	[tilespmem:s15+$0x0] =	vst v5;
	v0 =	vmul.f32 $5.656854150e+00, v0;
	v56 =	vld [tilespmem:s5+$0xFFFFFFA0]  }
0x7f: {  	[tilespmem:s15+$0xFFFFFFA0] =	vst v1;
	v59 =	vmul.f32 $5.656854150e+00, v4  }
0x80: {  	[tilespmem:s15+$0xFFFFFFC0] =	vst v0;
	v60 =	vmul.f32 $5.656854150e+00, v55  }
0x81: {  	[tilespmem:s15+$0xFFFFFFE0] =	vst v59;
	s15 =	sshll.u32 s0, $0x7;
	v62 =	vmul.f32 $5.656854150e+00, v57  }
.Ltmp7:
0x82: {  	[tilespmem:s17+$0x0] =	vst v60;
	s31 =	sadd.s32 s15, s7;
	v63 =	vmul.f32 $5.656854150e+00, v58;
	(pc) =	sbr.rel @p1 .LBB2_12-.Ltmp7, $4  }
0x83: {  	s5 =	sshll.u32 s31, $0x4;
	v61 =	vmul.f32 $5.656854150e+00, v56;
	[tilespmem:s17+$0xFFFFFFC0] =	vst v62  }
0x84: {  	s5 =	sand.u32 $0x1FFFFA00, s5;
	[tilespmem:s17+$0xFFFFFFE0] =	vst v63  }
0x85: {  	s5 =	sadd.s32 s2, s5;
	[tilespmem:s17+$0xFFFFFFA0] =	vst v61  }
0x86: {  	[hbm4b:s5+s3] =	stream.linear.scatter [tilespmem:s23], [sflag:$0x6], $0x1000, $0x38;
	[tilespmem:$0xE400] =	vst v63  }
.Ltmp8:
0x87: {  	(pc) =	sbr.rel .LBB2_13-.Ltmp8, $4  }
0x88: {  	_ = 	snop  }
0x89: {  	_ =	swait.ge [sflag:s24], $0x1000  }
0x8a: {  	[sflag:s24] =	ssyncset.done $0x0  }
0x8b: {  	[sflag:s24] =	ssyncadd.s32 $0xFFFFF000  }
.LBB2_12:
0x8c: {  	s5 =	sshll.u32 s0, $0x9  }
0x8d: {  	s5 =	sand.u32 $0x3FFFFE00, s5  }
.Ltmp9:
0x8e: {  	s5 =	sadd.s32 $0x280, s5;
	(pc) =	sbr.rel @p0 .LBB2_14-.Ltmp9, $4  }
0x8f: {  	[tilespmem:s14], [sflag:$0x2] =	stream.indirect.gather [hbm4b:s4+s12], $0x20, s5, s12, $0xb8;
	[tilespmem:$0xE400] =	vst v63  }
0x90: {  	_ =	swait.ge [sflag:s24], $0x1000  }
0x91: {  	[sflag:s24] =	ssyncset.done $0x0  }
0x92: {  	[sflag:s24] =	ssyncadd.s32 $0xFFFFF000  }
.LBB2_13:
0x93: {  	_ =	swait.ge [sflag:s25], $0x1000  }
0x94: {  	[sflag:s25] =	ssyncset.done $0x0  }
0x95: {  	[sflag:s25] =	ssyncadd.s32 $0xFFFFF000  }
.LBB2_14:
0x96: {  	s1 =	simm.s32 $0x8470  }
0x97: {  	v0 =	vld [tilespmem:s1+$0xFFFFFFF0];
	_ =	sdelay $0x3  }
0x98: {  	v1 =	vld [tilespmem:s1+$0xFFFFFF90]  }
0x99: {  	v2 =	vld [tilespmem:s1+$0xFFFFFFB0];
	v0 =	vmul.f32 $5.656854150e+00, v0  }
0x9a: {  	s17 =	simm.s32 $0xC470;
	s5 =	simm.s32 $0x84F0;
	v3 =	vld [tilespmem:s1+$0xFFFFFFD0]  }
0x9b: {  	[tilespmem:s17+$0xFFFFFFF0] =	vst v0;
	v0 =	vld [tilespmem:s5+$0xFFFFFFF0]  }
0x9c: {  	v4 =	vld [tilespmem:s1+$0x0]  }
0x9d: {  	v6 =	vld [tilespmem:s5+$0xFFFFFFB0];
	v1 =	vmul.f32 $5.656854150e+00, v1  }
0x9e: {  	v5 =	vmul.f32 $5.656854150e+00, v2;
	v2 =	vld [tilespmem:s5+$0xFFFFFFD0]  }
0x9f: {  	v7 =	vmul.f32 $5.656854150e+00, v3;
	v3 =	vld [tilespmem:s5+$0xFFFFFF90];
	[tilespmem:s17+$0xFFFFFF90] =	vst v1  }
0xa0: {  	[tilespmem:s17+$0xFFFFFFB0] =	vst v5;
	v1 =	vld [tilespmem:s1+$0xFFFFFFA0];
	v8 =	vmul.f32 $5.656854150e+00, v0  }
0xa1: {  	s10 =	simm.s32 $0xC4F0;
	[tilespmem:s17+$0xFFFFFFD0] =	vst v7;
	v0 =	vld [tilespmem:s1+$0xFFFFFFC0];
	v5 =	vmul.f32 $5.656854150e+00, v4  }
0xa2: {  	s11 =	simm.s32 $0x4;
	s31 =	simm.s32 $0x8570;
	v6 =	vmul.f32 $5.656854150e+00, v6;
	v4 =	vld [tilespmem:s1+$0xFFFFFFE0];
	[tilespmem:s10+$0xFFFFFFF0] =	vst v8  }
.LBB2_15:
0xa3: {  	v7 =	vld [tilespmem:s31+$0xFFFFFFF0];
	v2 =	vmul.f32 $5.656854150e+00, v2;
	[tilespmem:s17+$0x0] =	vst v5  }
0xa4: {  	s11 =	sadd.s32 $0x4, s11;
	v3 =	vmul.f32 $5.656854150e+00, v3;
	[tilespmem:s10+$0xFFFFFFB0] =	vst v6;
	v5 =	vld [tilespmem:s5+$0x0]  }
0xa5: {  	p2 =	slt.u32 s11, $0x7C;
	v6 =	vld [tilespmem:s31+$0xFFFFFFB0];
	[tilespmem:s10+$0xFFFFFFD0] =	vst v2;
	v1 =	vmul.f32 $5.656854150e+00, v1  }
.Ltmp10:
0xa6: {  	v2 =	vld [tilespmem:s31+$0xFFFFFFD0];
	[tilespmem:s10+$0xFFFFFF90] =	vst v3;
	v0 =	vmul.f32 $5.656854150e+00, v0;
	(pc) =	sbr.rel @p2 .LBB2_15-.Ltmp10, $4  }
0xa7: {  	v3 =	vld [tilespmem:s31+$0xFFFFFF90];
	[tilespmem:s17+$0xFFFFFFA0] =	vst v1;
	v4 =	vmul.f32 $5.656854150e+00, v4  }
0xa8: {  	v7 =	vmul.f32 $5.656854150e+00, v7;
	v1 =	vld [tilespmem:s5+$0xFFFFFFA0];
	[tilespmem:s17+$0xFFFFFFC0] =	vst v0  }
0xa9: {  	v0 =	vld [tilespmem:s5+$0xFFFFFFC0];
	v5 =	vmul.f32 $5.656854150e+00, v5;
	[tilespmem:s17+$0xFFFFFFE0] =	vst v4;
	s17 =	smov.u32 s10;
	s10 =	sadd.s32 $0x80, s10  }
0xaa: {  	v6 =	vmul.f32 $5.656854150e+00, v6;
	[tilespmem:s10+$0xFFFFFFF0] =	vst v7;
	v4 =	vld [tilespmem:s5+$0xFFFFFFE0];
	s5 =	smov.u32 s31;
	s31 =	sadd.s32 $0x80, s31  }
0xab: {  	v2 =	vmul.f32 $5.656854150e+00, v2  }
0xac: {  	v55 =	vld [tilespmem:s5+$0x0];
	v3 =	vmul.f32 $5.656854150e+00, v3;
	[tilespmem:s10+$0xFFFFFFB0] =	vst v6  }
0xad: {  	[tilespmem:s10+$0xFFFFFFD0] =	vst v2;
	v57 =	vld [tilespmem:s5+$0xFFFFFFC0]  }
0xae: {  	v1 =	vmul.f32 $5.656854150e+00, v1;
	[tilespmem:s10+$0xFFFFFF90] =	vst v3;
	v58 =	vld [tilespmem:s5+$0xFFFFFFE0]  }
0xaf: {  	[tilespmem:s17+$0x0] =	vst v5;
	v0 =	vmul.f32 $5.656854150e+00, v0;
	v56 =	vld [tilespmem:s5+$0xFFFFFFA0]  }
0xb0: {  	[tilespmem:s17+$0xFFFFFFA0] =	vst v1;
	v59 =	vmul.f32 $5.656854150e+00, v4  }
0xb1: {  	[tilespmem:s17+$0xFFFFFFC0] =	vst v0;
	v60 =	vmul.f32 $5.656854150e+00, v55  }
0xb2: {  	[tilespmem:s17+$0xFFFFFFE0] =	vst v59;
	v62 =	vmul.f32 $5.656854150e+00, v57  }
.Ltmp11:
0xb3: {  	s1 =	sadd.s32 s15, s8;
	[tilespmem:s10+$0x0] =	vst v60;
	v63 =	vmul.f32 $5.656854150e+00, v58;
	(pc) =	sbr.rel @p1 .LBB2_18-.Ltmp11, $4  }
0xb4: {  	s1 =	sshll.u32 s1, $0x4;
	v61 =	vmul.f32 $5.656854150e+00, v56;
	[tilespmem:s10+$0xFFFFFFC0] =	vst v62  }
0xb5: {  	s1 =	sand.u32 $0x1FFFFC00, s1;
	[tilespmem:s10+$0xFFFFFFE0] =	vst v63  }
0xb6: {  	s1 =	sadd.s32 s2, s1;
	[tilespmem:s10+$0xFFFFFFA0] =	vst v61  }
0xb7: {  	[hbm4b:s1+s3] =	stream.linear.scatter [tilespmem:s26], [sflag:$0x7], $0x1000, $0x38;
	[tilespmem:$0xE400] =	vst v63  }
.Ltmp12:
0xb8: {  	(pc) =	sbr.rel .LBB2_19-.Ltmp12, $4  }
0xb9: {  	_ = 	snop  }
0xba: {  	_ =	swait.ge [sflag:s28], $0x1000  }
0xbb: {  	[sflag:s28] =	ssyncset.done $0x0  }
0xbc: {  	[sflag:s28] =	ssyncadd.s32 $0xFFFFF000  }
.LBB2_18:
0xbd: {  	s1 =	sshll.u32 s0, $0x9  }
0xbe: {  	s1 =	sand.u32 $0x3FFFFE00, s1  }
.Ltmp13:
0xbf: {  	s1 =	sadd.s32 $0x300, s1;
	(pc) =	sbr.rel @p0 .LBB2_20-.Ltmp13, $4  }
0xc0: {  	[tilespmem:s16], [sflag:$0x3] =	stream.indirect.gather [hbm4b:s4+s12], $0x20, s1, s12, $0xb8;
	[tilespmem:$0xE400] =	vst v63  }
0xc1: {  	_ =	swait.ge [sflag:s28], $0x1000  }
0xc2: {  	[sflag:s28] =	ssyncset.done $0x0  }
0xc3: {  	[sflag:s28] =	ssyncadd.s32 $0xFFFFF000  }
.LBB2_19:
0xc4: {  	_ =	swait.ge [sflag:s29], $0x1000  }
0xc5: {  	[sflag:s29] =	ssyncset.done $0x0  }
0xc6: {  	[sflag:s29] =	ssyncadd.s32 $0xFFFFF000  }
.LBB2_20:
0xc7: {  	s1 =	simm.s32 $0x9470  }
0xc8: {  	v0 =	vld [tilespmem:s1+$0xFFFFFFF0];
	_ =	sdelay $0x3  }
0xc9: {  	v1 =	vld [tilespmem:s1+$0xFFFFFF90]  }
0xca: {  	v2 =	vld [tilespmem:s1+$0xFFFFFFB0];
	v0 =	vmul.f32 $5.656854150e+00, v0  }
0xcb: {  	s17 =	simm.s32 $0xD470;
	s5 =	simm.s32 $0x94F0;
	v3 =	vld [tilespmem:s1+$0xFFFFFFD0]  }
0xcc: {  	[tilespmem:s17+$0xFFFFFFF0] =	vst v0;
	v0 =	vld [tilespmem:s5+$0xFFFFFFF0]  }
0xcd: {  	v4 =	vld [tilespmem:s1+$0x0]  }
0xce: {  	v6 =	vld [tilespmem:s5+$0xFFFFFFB0];
	v1 =	vmul.f32 $5.656854150e+00, v1  }
0xcf: {  	v5 =	vmul.f32 $5.656854150e+00, v2;
	v2 =	vld [tilespmem:s5+$0xFFFFFFD0]  }
0xd0: {  	v7 =	vmul.f32 $5.656854150e+00, v3;
	v3 =	vld [tilespmem:s5+$0xFFFFFF90];
	[tilespmem:s17+$0xFFFFFF90] =	vst v1  }
0xd1: {  	[tilespmem:s17+$0xFFFFFFB0] =	vst v5;
	v1 =	vld [tilespmem:s1+$0xFFFFFFA0];
	v8 =	vmul.f32 $5.656854150e+00, v0  }
0xd2: {  	s10 =	simm.s32 $0xD4F0;
	[tilespmem:s17+$0xFFFFFFD0] =	vst v7;
	v0 =	vld [tilespmem:s1+$0xFFFFFFC0];
	v5 =	vmul.f32 $5.656854150e+00, v4  }
0xd3: {  	s11 =	simm.s32 $0x4;
	s31 =	simm.s32 $0x9570;
	v6 =	vmul.f32 $5.656854150e+00, v6;
	v4 =	vld [tilespmem:s1+$0xFFFFFFE0];
	[tilespmem:s10+$0xFFFFFFF0] =	vst v8  }
.LBB2_21:
0xd4: {  	v7 =	vld [tilespmem:s31+$0xFFFFFFF0];
	v2 =	vmul.f32 $5.656854150e+00, v2;
	[tilespmem:s17+$0x0] =	vst v5  }
0xd5: {  	s11 =	sadd.s32 $0x4, s11;
	v3 =	vmul.f32 $5.656854150e+00, v3;
	[tilespmem:s10+$0xFFFFFFB0] =	vst v6;
	v5 =	vld [tilespmem:s5+$0x0]  }
0xd6: {  	p0 =	slt.u32 s11, $0x7C;
	v6 =	vld [tilespmem:s31+$0xFFFFFFB0];
	[tilespmem:s10+$0xFFFFFFD0] =	vst v2;
	v1 =	vmul.f32 $5.656854150e+00, v1  }
.Ltmp14:
0xd7: {  	v2 =	vld [tilespmem:s31+$0xFFFFFFD0];
	[tilespmem:s10+$0xFFFFFF90] =	vst v3;
	v0 =	vmul.f32 $5.656854150e+00, v0;
	(pc) =	sbr.rel @p0 .LBB2_21-.Ltmp14, $4  }
0xd8: {  	v3 =	vld [tilespmem:s31+$0xFFFFFF90];
	[tilespmem:s17+$0xFFFFFFA0] =	vst v1;
	v4 =	vmul.f32 $5.656854150e+00, v4  }
0xd9: {  	v7 =	vmul.f32 $5.656854150e+00, v7;
	v1 =	vld [tilespmem:s5+$0xFFFFFFA0];
	[tilespmem:s17+$0xFFFFFFC0] =	vst v0  }
0xda: {  	v0 =	vld [tilespmem:s5+$0xFFFFFFC0];
	v5 =	vmul.f32 $5.656854150e+00, v5;
	[tilespmem:s17+$0xFFFFFFE0] =	vst v4;
	s17 =	smov.u32 s10;
	s10 =	sadd.s32 $0x80, s10  }
0xdb: {  	v6 =	vmul.f32 $5.656854150e+00, v6;
	[tilespmem:s10+$0xFFFFFFF0] =	vst v7;
	v4 =	vld [tilespmem:s5+$0xFFFFFFE0];
	s5 =	smov.u32 s31;
	s31 =	sadd.s32 $0x80, s31  }
0xdc: {  	v2 =	vmul.f32 $5.656854150e+00, v2  }
0xdd: {  	v55 =	vld [tilespmem:s5+$0x0];
	v3 =	vmul.f32 $5.656854150e+00, v3;
	[tilespmem:s10+$0xFFFFFFB0] =	vst v6  }
0xde: {  	[tilespmem:s10+$0xFFFFFFD0] =	vst v2;
	v57 =	vld [tilespmem:s5+$0xFFFFFFC0]  }
0xdf: {  	v1 =	vmul.f32 $5.656854150e+00, v1;
	[tilespmem:s10+$0xFFFFFF90] =	vst v3;
	v58 =	vld [tilespmem:s5+$0xFFFFFFE0]  }
0xe0: {  	[tilespmem:s17+$0x0] =	vst v5;
	v0 =	vmul.f32 $5.656854150e+00, v0;
	v56 =	vld [tilespmem:s5+$0xFFFFFFA0]  }
0xe1: {  	[tilespmem:s17+$0xFFFFFFA0] =	vst v1;
	v59 =	vmul.f32 $5.656854150e+00, v4  }
0xe2: {  	[tilespmem:s17+$0xFFFFFFC0] =	vst v0;
	v60 =	vmul.f32 $5.656854150e+00, v55  }
0xe3: {  	p0 =	seq.s32 s0, $0x31;
	[tilespmem:s17+$0xFFFFFFE0] =	vst v59;
	v62 =	vmul.f32 $5.656854150e+00, v57  }
.Ltmp15:
0xe4: {  	s1 =	sadd.s32 s15, s9;
	[tilespmem:s10+$0x0] =	vst v60;
	v63 =	vmul.f32 $5.656854150e+00, v58;
	(pc) =	sbr.rel @p0 .LBB2_24-.Ltmp15, $4  }
0xe5: {  	s1 =	sshll.u32 s1, $0x4;
	v61 =	vmul.f32 $5.656854150e+00, v56;
	[tilespmem:s10+$0xFFFFFFC0] =	vst v62  }
0xe6: {  	s1 =	sand.u32 $0x1FFFFE00, s1;
	[tilespmem:s10+$0xFFFFFFE0] =	vst v63  }
0xe7: {  	s1 =	sadd.s32 s2, s1;
	[tilespmem:s10+$0xFFFFFFA0] =	vst v61  }
0xe8: {  	[hbm4b:s1+s3] =	stream.linear.scatter [tilespmem:s30], [sflag:$0x8], $0x1000, $0x38;
	[tilespmem:$0xE400] =	vst v63  }
.Ltmp16:
0xe9: {  	(pc) =	sbr.rel .LBB2_2-.Ltmp16, $4  }
0xea: {  	s1 =	sshll.u32 s0, $0x9  }
0xeb: {  	s1 =	sand.u32 $0x3FFFFE00, s1  }
0xec: {  	s0 =	sadd.s32 $0x1, s0;
	s1 =	sadd.s32 $0x380, s1  }
0xed: {  	[tilespmem:s18], [sflag:$0x4] =	stream.indirect.gather [hbm4b:s4+s12], $0x20, s1, s12, $0xb8;
	[tilespmem:$0xE400] =	vst v63  }
.LBB2_25:
0xee: {  	_ =	sfence.sel $0x180000  }
0xef: {  	[bflag:$0x0] =	sbarrier.arrive $0xFFFF  }
0xf0: {  	_ =	strace $0x90000047  }
0xf1: {  	s0 =	stileid.u32;
	[bflag:$0x2] =	sbarrier.arrive $0xFFFF  }
0xf2: {  	p0 =	sne.s32 s0, $0x0;
	s0 =	rddreg [dreg:$0x2]  }
0xf3: {  	s0 =	sadd.s32 @!p0 $0x100000, s0  }
0xf4: {  	[sflag:s0] =	ssyncadd.tile.s32 @!p0 $0x1;
	_ =	shalt  }
.Lfunc_end2:
_tile_overlayer_lowered:
.L_overlay_start_2:
0xf5: {  	(tag) =	ssettag $0x2  }
0xf6: {  	s0 =	rddreg [dreg:$0x0];
	s2 =	stileid.u32  }
0xf7: {  	s1 =	rddreg [dreg:$0x1];
	p0 =	sne.s32 s2, $0x0  }
0xf8: {  	s3 =	rddreg [dreg:$0x2];
	[bflag:$0x3] =	sbarrier.arrive $0xFFFF;
	s2 =	simm.s32 @!p0 $0x1C09  }
0xf9: {  	[timem:s3], [sflag:s2] =	dma.local @!p0 [hbm:s0], s1  }
0xfa: {  	s0 =	simm.s32 @!p0 $0x9  }
0xfb: {  	_ =	swait.ge @!p0 [sflag:s0], s1  }
0xfc: {  	s1 =	ssub.s32 @!p0 $0x0, s1;
	[sflag:s0] =	ssyncset.done @!p0 $0x0  }
0xfd: {  	[sflag:s0] =	ssyncadd.s32 @!p0 s1  }
0xfe: {  	[bflag:$0x3] =	sbarrier.arrive $0xFFFF  }
0xff: {  	_ =	shalt  }

// kernel: sparse-core-data-format-call.cloned.1.call-start
scs
called_computation_lowered:
.L_overlay_start_0:
0x0: {  	s2 =	sld [smem:$0x3FD9]  }
0x1: {  	s3 =	sld [smem:$0x3FFE];
	_ =	sdelay $0x1  }
0x2: {  	s1 =	srdreg.scid  }
0x3: {  	s0 =	sand.u32 $0x1, s1  }
0x4: {  	s18 =	sshll.u32 s0, $0xA;
	s2 =	sadd.s32 s3, s2  }
0x5: {  	s2 =	sadd.s32 s2, s18  }
0x6: {  	[smem:$0x3FC6] =	sst s2  }
0x7: {  	_ = 	snop  }
0x8: {  	s2 =	sld [smem:$0x3FD0];
	(tm) =	ssettm $0x1  }
0x9: {  	s19 =	sld [smem:$0x3FFB];
	_ =	sdelay $0x3  }
0xa: {  	_ =	strace s19  }
0xb: {  	s3 =	sld [smem:$0x3FFC];
	_ =	sdelay $0x3  }
0xc: {  	_ =	strace s3  }
0xd: {  	s3 =	sld [smem:$0x3FFD];
	_ =	sdelay $0x3  }
0xe: {  	_ =	strace s3  }
0xf: {  	_ =	strace $0x8FFFFFFF  }
0x10: {  	s20 =	sld [smem:$0x3FDB];
	_ =	sdelay $0x1  }
0x11: {  	s4 =	simm.s32 $_scs_section_size  }
0x12: {  	s5 =	simm.s32 $_size__tile_overlayer_lowered;
	s6 =	simm.s32 $_tile_overlayer_lowered  }
0x13: {  	s23 =	simm.s32 $0x1BFF;
	s22 =	sshll.u32 s6, $0x1;
	s3 =	sadd.s32 s4, s20  }
0x14: {  	s7 =	simm.s32 $0x0;
	s21 =	sshll.u32 s5, $0x1;
	s5 =	sadd.s32 s22, s3  }
0x15: {  	[timem:s7], [sflag:s23] =	dma.local [hbm:s5], s21  }
0x16: {  	_ =	swait.ge [sflag:s23], s21  }
0x17: {  	s4 =	ssub.s32 $0x0, s21;
	[sflag:s23] =	ssyncset.done $0x0  }
0x18: {  	[sflag:s23] =	ssyncadd.s32 s4;
	_ =	sdelay $0x1  }
0x19: {  	s24 =	simm.s32 $0x1B8B  }
0x1a: {  	_ =	swait.ge [sflag:s24], $0x1  }
0x1b: {  	[sflag:s24] =	ssyncset.done $0x0  }
0x1c: {  	s26 =	simm.s32 $0x1B8E;
	s25 =	sld [smem:$0x3FFE];
	[sflag:s24] =	ssyncadd.s32 $0xFFFFFFFF  }
0x1d: {  	s27 =	simm.s32 $execute0_lowered;
	[smem:$0x3FD2] =	sst s26  }
0x1e: {  	s5 =	sshll.u32 s27, $0x1;
	_ =	strace $0x80000049;
	[dreg:$0x1] =	wrdreg $0xFFFFFFFF  }
0x1f: {  	s28 =	simm.s32 $_size_execute0_lowered;
	s3 =	sadd.s32 s3, s5;
	[dreg:$0x0] =	wrdreg $0x0  }
0x20: {  	s5 =	sshll.u32 s28, $0x1;
	[dreg:$0x2] =	wrdreg s3  }
0x21: {  	[dreg:$0x3] =	wrdreg s5  }
0x22: {  	[dreg:$0x4] =	wrdreg $0xC0  }
0x23: {  	_ =	task [dreg:s7], $0x5FFFF  }
0x24: {  	[dreg:$0x1] =	wrdreg $0xFFFFFFFF  }
0x25: {  	[dreg:$0x0] =	wrdreg $0x60  }
0x26: {  	[dreg:$0x2] =	wrdreg s25  }
0x27: {  	[dreg:$0x3] =	wrdreg s2  }
0x28: {  	[dreg:$0x4] =	wrdreg $0x9  }
0x29: {  	_ =	task.clear_ibuf [dreg:s7], $0x5FFFF;
	_ =	strace $0x90000049  }
0x2a: {  	s29 =	simm.s32 $0x9;
	_ =	strace $0x8000004B  }
0x2b: {  	_ =	swait.ge [sflag:s29], $0x1  }
0x2c: {  	[sflag:s29] =	ssyncadd.s32 $0xFFFFFFFF  }
0x2d: {  	_ =	strace $0x9000004B  }
0x2e: {  	_ =	sfence  }
0x2f: {  	s30 =	sld [smem:$0x0];
	_ =	sdelay $0x2  }
0x30: {  	s31 =	sshll.u32 s1, $0xD;
	s1 =	sshrl.u32 s1, $0x2  }
0x31: {  	s3 =	sand.u32 $0x4000, s31;
	s1 =	sadd.s32 s1, s30  }
0x32: {  	s0 =	sor.u32 s3, s0;
	s1 =	sshll.u32 s1, $0x11  }
0x33: {  	s0 =	sor.u32 s1, s0  }
0x34: {  	s0 =	sadd.s32 $0x8F2B, s0  }
0x35: {  	[sflag:s0] =	ssyncadd.remote.s32 $0x1  }
0x36: {  	_ =	sfence.sel $0xFFFF  }
0x37: {  	[dreg:$0x0] =	wrdreg $0xFFFFFFFF;
	(pc) =	sbr.abs _section_cstart, $3  }
0x38: {  	[dreg:$0x1] =	wrdreg $0xFFFFFFFF  }
0x39: {  	_ =	task.clear_ibuf [dreg:s7], $0x2FFFF;
	_ =	strace $0x9FFFFFFF  }
0x3a: {  	(tm) =	ssettm $0x7FFFFFFF  }
0x3b: {  	_ =	shalt  }
tec
execute0_lowered:
.L_overlay_start_1:
0x0: {  	(tag) =	ssettag $0x1  }
0x1: {  	s0 =	srdreg.scid  }
0x2: {  	s1 =	sshll.u32 s0, $0x4  }
0x3: {  	s0 =	stileid.u32;
	s1 =	sand.u32 $0x10, s1  }
0x4: {  	s1 =	sor.u32 s0, s1  }
0x5: {  	s6 =	rddreg [dreg:$0x0];
	s4 =	simm.s32 $0x1;
	s2 =	sshll.u32 s1, $0x7  }
0x6: {  	s7 =	simm.s32 $0x2;
	s12 =	simm.s32 $0x0;
	s1 =	ssub.s32 $0x4000, s2  }
0x7: {  	s8 =	simm.s32 $0x20000;
	s13 =	simm.s32 $0x0;
	s3 =	sand.u32 $0xF80, s1  }
0x8: {  	s9 =	simm.s32 $0x0;
	s5 =	sshrl.u32 s1, $0xC;
	p0 =	sne.s32 s3, $0x0  }
.Ltmp0:
0x9: {  	s1 =	rddreg [dreg:$0x2];
	s4 =	simm.s32 @!p0 $0x0;
	(pc) =	sbr.rel .LBB1_1-.Ltmp0, $4  }
0xa: {  	s11 =	simm.s32 $0x0;
	s3 =	rddreg [dreg:$0x1];
	s5 =	sadd.s32 s4, s5  }
0xb: {  	_ =	strace $0x8000004A;
	s4 =	simm.s32 $0x1;
	s5 =	smul.u32 $0x32, s5  }
0xc: {  	s6 =	sadd.s32 $0xA00, s6;
	s10 =	smov.u32 s2;
	[sflag:s4] =	ssyncpa.u1 $0x0  }
0xd: {  	p0 =	por $0x0, $0x0;
	[sflag:s7] =	ssyncpa.u1 $0x0;
	s7 =	sor.u32 $0x1, s5  }
.LBB1_4:
0xe: {  	s16 =	sshll.u32 s13, $0x3;
	s17 =	sand.u32 $0x78, s13  }
0xf: {  	s30 =	sand.u32 $0xF800, s13;
	s12 =	sshll.u32 s12, $0x10;
	s16 =	sand.u32 $0x3C00, s16  }
0x10: {  	s31 =	sand.u32 $0x7, s13;
	s16 =	sor.u32 s17, s16;
	s17 =	sadd.s32 s3, s30  }
0x11: {  	s13 =	sshll.u32 s31, $0x12;
	s16 =	sshrl.u32 s16, $0x3;
	s12 =	sadd.s32 s12, s17  }
0x12: {  	[tilespmem:s15+$0x0 ss:$0x81] =	vst.msk $0xffff, v0;
	s13 =	sor.u32 $0x400, s13;
	s12 =	sadd.s32 s16, s12  }
0x13: {  	[hbm4b:s12+s13] =	stream.strided.scatter [tilespmem:s14], [sflag:$0x2], $0x1000, s8, s13, $0x20;
	[tilespmem:$0x4040] =	vst v63  }
.LBB1_5:
0x14: {  	s14 =	sadd.s32 $0x1, s9  }
0x15: {  	s12 =	sadd.s32 $0x1000, s10;
	s16 =	smov.u32 s10;
	p2 =	sgt.s32 s14, $0x31  }
0x16: {  	s16 =	smov.u32 @p2 s12  }
0x17: {  	s14 =	simm.s32 @p2 $0x0;
	p2 =	sgt.s32 s16, $0x3FFF  }
0x18: {  	s16 =	smov.u32 @p2 s2;
	p2 =	sne.s32 s11, s7  }
.Ltmp1:
0x19: {  	p1 =	slt.u32 s11, $0x2;
	(pc) =	sbr.rel @!p2 .LBB1_6-.Ltmp1, $4  }
0x1a: {  	s15 =	simm.s32 @!p1 $0x2  }
0x1b: {  	s13 =	smov.u32 s10;
	p0 =	por !p0, !p0;
	_ =	swait.ge @!p1 [sflag:s15], $0x1000  }
0x1c: {  	s12 =	smov.u32 s9;
	[sflag:s15] =	ssyncset.done @!p1 $0x0;
	s9 =	smov.u32 s14  }
0x1d: {  	s11 =	sadd.s32 $0x1, s11;
	[sflag:s15] =	ssyncadd.s32 @!p1 $0xFFFFF000;
	s10 =	smov.u32 s16  }
.LBB1_1:
0x1e: {  	p1 =	sge.u32 s11, s5  }
0x1f: {  	s14 =	sand.u32 @!p1 $0x1FFFFFF, s9  }
0x20: {  	s15 =	smulhi.u32 @!p1 $0x4924925, s14;
	_ =	sdelay $0x1  }
0x21: {  	s15 =	smul.u32 @!p1 $0x38, s15  }
0x22: {  	s16 =	sxor.u32 @!p1 $0xFFFFFFFF, s11;
	s17 =	smul.u32 @!p1 $0x380, s10  }
0x23: {  	s31 =	sadd.s32 $0xFFFFFFFF, s11;
	s16 =	sshll.u32 @!p1 s16, $0xC;
	s14 =	ssub.s32 @!p1 s14, s15  }
0x24: {  	s15 =	sand.u32 @!p1 $0x1000, s16;
	s16 =	sadd.s32 @!p1 s6, s17;
	s14 =	sshll.u32 @!p1 s14, $0x4  }
0x25: {  	s17 =	simm.s32 @!p1 $0x1C00;
	s14 =	sadd.s32 @!p1 s14, s16;
	s16 =	simm.s32 @!p1 $0x20  }
0x26: {  	[tilespmem:s15], [sflag:$0x1] =	stream.strided.gather @!p1 [hbm4b:s14+s16], $0x1000, s17, s16, $0x38;
	[tilespmem:$0x4040] =	vst v63  }
0x27: {  	p1 =	sge.u32 s31, s5  }
.Ltmp2:
0x28: {  	_ = 	snop;
	(pc) =	sbr.rel @p1 .LBB1_5-.Ltmp2, $1  }
0x29: {  	_ =	sdelay $0x3  }
0x2a: {  	s14 =	simm.s32 $0x1  }
0x2b: {  	_ =	swait.ge [sflag:s4], $0x1000;
	s14 =	simm.s32 @!p0 $0x0  }
0x2c: {  	[sflag:s4] =	ssyncset.done $0x0;
	s15 =	sshll.u32 s14, $0xC  }
0x2d: {  	[sflag:s4] =	ssyncadd.s32 $0xFFFFF000;
	s18 =	sor.u32 $0x10, s15  }
0x2e: {  	s14 =	smul.u32 $0x4080, s14;
	v1 =	vld [tilespmem:s18+$0x0]  }
0x2f: {  	s30 =	sand.u32 $0x1, s11;
	v0 =	vld [tilespmem:s18+$0xFFFFFFF0]  }
0x30: {  	s15 =	smul.u32 $0x4080, s30;
	s14 =	sshrl.u32 s14, $0x2  }
0x31: {  	s16 =	sor.u32 $0x2000, s14  }
0x32: {  	s31 =	sshrl.u32 s15, $0x2;
	s15 =	sadd.s32 $0x0, s16  }
0x33: {  	s17 =	simm.s32 $0x4;
	s18 =	sadd.s32 $0x20, s18;
	s14 =	sor.u32 $0x2000, s31;
	[tilespmem:s15+$0x810 ss:$0x81] =	vst.msk $0xffff, v1  }
.LBB1_3:
0x34: {  	v1 =	vld [tilespmem:s18+$0x0];
	p1 =	sne.s32 s17, $0x1FC;
	[tilespmem:s15+$0x0 ss:$0x81] =	vst.msk $0xffff, v0;
	s15 =	smov.u32 s17;
	s17 =	sadd.s32 $0x4, s17  }
.Ltmp3:
0x35: {  	v0 =	vld [tilespmem:s18+$0xFFFFFFF0];
	(pc) =	sbr.rel @p1 .LBB1_3-.Ltmp3, $4  }
0x36: {  	_ = 	snop  }
0x37: {  	s15 =	sshra.s32 s15, $0x2  }
0x38: {  	s15 =	sadd.s32 s15, s16  }
0x39: {  	s18 =	sadd.s32 $0x20, s18;
	[tilespmem:s15+$0x810 ss:$0x81] =	vst.msk $0xffff, v1  }
.Ltmp4:
0x3a: {  	_ = 	snop;
	(pc) =	sbr.rel .LBB1_4-.Ltmp4, $1  }
0x3b: {  	_ =	sdelay $0x3  }
.LBB1_6:
0x3c: {  	_ =	sfence.sel $0x180000  }
0x3d: {  	s2 =	simm.s32 $0x1;
	[bflag:$0x0] =	sbarrier.arrive $0xFFFF  }
0x3e: {  	s31 =	simm.s32 $0x2;
	[sflag:s2] =	ssyncpa.u1 $0x1  }
0x3f: {  	[sflag:s31] =	ssyncpa.u1 $0x1  }
0x40: {  	p0 =	sne.s32 s0, $0x0;
	_ =	strace $0x9000004A  }
0x41: {  	s0 =	sadd.s32 @!p0 $0x100000, s1;
	[bflag:$0x2] =	sbarrier.arrive $0xFFFF  }
0x42: {  	[sflag:s0] =	ssyncadd.tile.s32 @!p0 $0x1;
	_ =	shalt  }
.Lfunc_end1:
_tile_overlayer_lowered:
.L_overlay_start_2:
0x43: {  	(tag) =	ssettag $0x2  }
0x44: {  	s0 =	rddreg [dreg:$0x0];
	s2 =	stileid.u32  }
0x45: {  	s1 =	rddreg [dreg:$0x1];
	p0 =	sne.s32 s2, $0x0  }
0x46: {  	s3 =	rddreg [dreg:$0x2];
	[bflag:$0x3] =	sbarrier.arrive $0xFFFF;
	s2 =	simm.s32 @!p0 $0x1C01  }
0x47: {  	[timem:s3], [sflag:s2] =	dma.local @!p0 [hbm:s0], s1  }
0x48: {  	s0 =	simm.s32 @!p0 $0x1  }
0x49: {  	_ =	swait.ge @!p0 [sflag:s0], s1  }
0x4a: {  	s1 =	ssub.s32 @!p0 $0x0, s1;
	[sflag:s0] =	ssyncset.done @!p0 $0x0  }
0x4b: {  	[sflag:s0] =	ssyncadd.s32 @!p0 s1  }
0x4c: {  	[bflag:$0x3] =	sbarrier.arrive $0xFFFF  }
0x4d: {  	_ =	shalt  }

</sc_bundles>
